<compile_context>
chip_gen: v7x
topology: tpu7x:2x2x1
jax: 0.10.2.dev20260603
libtpu: 0.0.44.dev20260713+nightly
codegen_flags: <defaults>
</compile_context>

<pallas_src>
import functools

import jax
import jax.numpy as jnp
from jax import lax
from jax.experimental import pallas as pl
from jax.experimental.pallas import tpu as pltpu
from jax.experimental.pallas import tpu_sc as plsc

NUM_EMBEDDINGS = 1000000
EMBEDDING_DIM = 64
BATCH = 4096
HIST_LEN = 200

CHUNK = 128
N_ROWS = BATCH * HIST_LEN
N_CHUNKS = N_ROWS // CHUNK

NBUF = 8
PREF = 4


def _make_sc_gather():
    info = plsc.get_sparse_core_info()
    nw = info.num_cores * info.num_subcores
    chunks_per_w = N_CHUNKS // nw
    assert chunks_per_w % NBUF == 0
    groups = chunks_per_w // NBUF

    mesh = plsc.VectorSubcoreMesh(core_axis_name="c", subcore_axis_name="s")

    @functools.partial(
        pl.kernel,
        mesh=mesh,
        out_type=jax.ShapeDtypeStruct((N_ROWS, 2 * EMBEDDING_DIM), jnp.float32),
        scratch_types=[
            pltpu.VMEM((chunks_per_w, CHUNK), jnp.int32),
            pltpu.VMEM((NBUF, CHUNK, EMBEDDING_DIM), jnp.float32),
            pltpu.SemaphoreType.DMA((NBUF,)),
            pltpu.SemaphoreType.DMA((NBUF,)),
        ],
        compiler_params=pltpu.CompilerParams(use_tc_tiling_on_sc=False),
    )
    def gather_kernel(idx_hbm, table_hbm, out_hbm, idx_v, bufs, gsem, ssem):
        wid = lax.axis_index("s") * info.num_cores + lax.axis_index("c")
        chunk_base = wid * chunks_per_w
        pltpu.sync_copy(idx_hbm.at[pl.ds(chunk_base, chunks_per_w)], idx_v)

        def gather(j, b):
            pltpu.make_async_copy(
                table_hbm.at[idx_v.at[j]], bufs.at[b], gsem.at[b]
            ).start()

        def store(j, b):
            pltpu.make_async_copy(
                bufs.at[b],
                out_hbm.at[
                    pl.ds((chunk_base + j) * CHUNK, CHUNK),
                    pl.ds(0, EMBEDDING_DIM),
                ],
                ssem.at[b],
            ).start()

        def wait_gather(b):
            pltpu.make_async_copy(
                table_hbm.at[idx_v.at[0]], bufs.at[b], gsem.at[b]
            ).wait()

        def wait_store(b):
            pltpu.make_async_copy(
                bufs.at[b],
                out_hbm.at[pl.ds(0, CHUNK), pl.ds(0, EMBEDDING_DIM)],
                ssem.at[b],
            ).wait()

        for b in range(PREF):
            gather(b, b)

        def group(g, carry):
            for b in range(NBUF):
                j = g * NBUF + b
                jp = j + PREF
                bp = (b + PREF) % NBUF

                @pl.when(jp < chunks_per_w)
                def _():
                    @pl.when(jp >= NBUF)
                    def _():
                        wait_store(bp)

                    gather(jp, bp)

                wait_gather(b)
                store(j, b)
            return carry

        lax.fori_loop(0, groups, group, 0)
        for b in range(NBUF):
            wait_store(b)

    return gather_kernel


_gather = _make_sc_gather()


def kernel(token_ids, weight):
    w2 = jnp.pad(weight, ((0, 0), (0, 128 - EMBEDDING_DIM))).reshape(
        2 * NUM_EMBEDDINGS, EMBEDDING_DIM
    )
    idx2 = token_ids.reshape(N_CHUNKS, CHUNK).astype(jnp.int32) * 2
    out_pad = _gather(idx2, w2)
    return out_pad[:, :EMBEDDING_DIM].reshape(BATCH, HIST_LEN, EMBEDDING_DIM)

# --- scband reference (transcript-rebuilt; emitter-appended) ---
"""Pipeline reference for scband-embedding-3169685864945 (READ-ONLY COPY).

The authoritative reference and input builder live on the scoring server;
editing this copy changes nothing except your own understanding.
"""

import jax, jax.numpy as jnp
import numpy as np

NUM_EMBEDDINGS = 1000000
EMBEDDING_DIM = 64
BATCH = 4096
HIST_LEN = 200

def setup_inputs(seed: int = 0) -> dict:
    key = jax.random.key(seed)
    k_idx, k_w = jax.random.split(key)
    token_ids = jax.random.randint(k_idx, (BATCH, HIST_LEN), 0, NUM_EMBEDDINGS, dtype=jnp.int64 if jax.config.read('jax_enable_x64') else jnp.int32)
    # truncated-normal initialized embedding table, matching nn.init.trunc_normal_(a=-3, b=3)
    weight = jax.random.truncated_normal(k_w, -3.0, 3.0, (NUM_EMBEDDINGS, EMBEDDING_DIM), dtype=jnp.float32)
    return {"token_ids": token_ids, "weight": weight}

def reference(token_ids, weight):
    # Faithful translation of Embedding.forward: self.weight[token_ids]
    return jnp.take(weight, token_ids, axis=0)

if __name__ == "__main__":
    import jax
    _d = setup_inputs()
    print(jax.jit(kernel)(*tuple(_d.values())))

</pallas_src>

<mosaic_0001>
#map = affine_map<(d0, d1) -> (0, 0)>
module attributes {stable_mosaic.version = 14 : i64} {
  func.func @gather_kernel(%arg0: i32, %arg1: i32, %arg2: memref<6400x128xi32, #tpu.memory_space<hbm>>, %arg3: memref<2000000x64xf32, #tpu.memory_space<hbm>>, %arg4: memref<819200x128xf32, #tpu.memory_space<hbm>>, %arg5: memref<200x128xi32, #tpu.memory_space<vmem>>, %arg6: memref<8x128x64xf32, #tpu.memory_space<vmem>>, %arg7: memref<8x!tpu.dma_semaphore, #tpu.memory_space<semaphore_mem>>, %arg8: memref<8x!tpu.dma_semaphore, #tpu.memory_space<semaphore_mem>>) attributes {dimension_semantics = [#tpu.dimension_semantics<core_parallel>, #tpu.dimension_semantics<subcore_parallel>], iteration_bounds = array<i64: 2, 16>, scalar_prefetch = 0 : i64, scratch_operands = 4 : i64, tpu.core_type = #tpu.core_type<sc_vector_subcore>, window_params = [{transform_indices = #map}, {transform_indices = #map}, {transform_indices = #map}]} {
    %mul3A = arith.constant 2 : i32
    %mul3A_0 = arith.muli %arg1, %mul3A : i32
    %add3A = arith.addi %mul3A_0, %arg0 : i32
    %mul3A_1 = arith.constant 200 : i32
    %mul3A_2 = arith.muli %add3A, %mul3A_1 : i32
    "tpu.region"() ({
      %run_scoped3A = tpu.sem_alloc : memref<!tpu.dma_semaphore, #tpu.memory_space<semaphore_mem>>
      %dma_start3A_210 = arith.constant 0 : i32
      %dma_start3A_211 = tpu.memref_slice %arg2[%mul3A_2, %dma_start3A_210] : memref<6400x128xi32, #tpu.memory_space<hbm>> -> memref<200x128xi32, #tpu.memory_space<hbm>>
      %dma_start3A_212 = arith.constant 0 : i32
      %dma_start3A_213 = tpu.memref_slice %arg2[%mul3A_2, %dma_start3A_212] : memref<6400x128xi32, #tpu.memory_space<hbm>> -> memref<200x128xi32, #tpu.memory_space<hbm>>
      tpu.enqueue_dma source(%dma_start3A_213 : memref<200x128xi32, #tpu.memory_space<hbm>>) target(%arg5 : memref<200x128xi32, #tpu.memory_space<vmem>>) target_semaphore(%run_scoped3A : memref<!tpu.dma_semaphore, #tpu.memory_space<semaphore_mem>>)
      %dma_wait3A_214 = arith.constant 0 : i32
      %dma_wait3A_215 = tpu.memref_slice %arg2[%mul3A_2, %dma_wait3A_214] : memref<6400x128xi32, #tpu.memory_space<hbm>> -> memref<200x128xi32, #tpu.memory_space<hbm>>
      %dma_wait3A_216 = arith.constant 0 : i32
      %dma_wait3A_217 = tpu.memref_slice %arg2[%mul3A_2, %dma_wait3A_216] : memref<6400x128xi32, #tpu.memory_space<hbm>> -> memref<200x128xi32, #tpu.memory_space<hbm>>
      tpu.wait_dma2 semaphore(%run_scoped3A : memref<!tpu.dma_semaphore, #tpu.memory_space<semaphore_mem>>) src(%dma_wait3A_217 : memref<200x128xi32, #tpu.memory_space<hbm>>) dst(%arg5 : memref<200x128xi32, #tpu.memory_space<vmem>>)
      tpu.yield
    }) : () -> ()
    %dma_start3A = arith.constant 0 : i32
    %dma_start3A_3 = arith.constant 0 : i32
    %dma_start3A_4 = arith.constant 0 : i32
    %dma_start3A_5 = arith.constant 0 : i32
    %dma_start3A_6 = arith.constant 0 : i32
    %dma_start3A_7 = tpu.memref_slice %arg6[%dma_start3A_3, %dma_start3A_5, %dma_start3A_6] : memref<8x128x64xf32, #tpu.memory_space<vmem>> -> memref<1x128x64xf32, #tpu.memory_space<vmem>>
    %dma_start3A_8 = tpu.memref_squeeze %dma_start3A_7 : memref<1x128x64xf32, #tpu.memory_space<vmem>> -> memref<128x64xf32, #tpu.memory_space<vmem>>
    %dma_start3A_9 = arith.constant 0 : i32
    %dma_start3A_10 = tpu.memref_slice %arg5[%dma_start3A, %dma_start3A_9] : memref<200x128xi32, #tpu.memory_space<vmem>> -> memref<1x128xi32, #tpu.memory_space<vmem>>
    %dma_start3A_11 = tpu.memref_squeeze %dma_start3A_10 : memref<1x128xi32, #tpu.memory_space<vmem>> -> memref<128xi32, #tpu.memory_space<vmem>>
    %dma_start3A_12 = arith.constant 0 : i32
    %dma_start3A_13 = arith.constant 0 : i32
    %dma_start3A_14 = tpu.memref_slice %arg3[%dma_start3A_12, %dma_start3A_13] : memref<2000000x64xf32, #tpu.memory_space<hbm>> -> memref<2000000x64xf32, #tpu.memory_space<hbm>>
    %dma_start3A_15 = tpu.memref_slice %arg7[%dma_start3A_4] : memref<8x!tpu.dma_semaphore, #tpu.memory_space<semaphore_mem>> -> memref<1x!tpu.dma_semaphore, #tpu.memory_space<semaphore_mem>>
    %dma_start3A_16 = tpu.memref_squeeze %dma_start3A_15 : memref<1x!tpu.dma_semaphore, #tpu.memory_space<semaphore_mem>> -> memref<!tpu.dma_semaphore, #tpu.memory_space<semaphore_mem>>
    tpu.enqueue_indirect_dma source(%dma_start3A_14 : memref<2000000x64xf32, #tpu.memory_space<hbm>>) target(%dma_start3A_8 : memref<128x64xf32, #tpu.memory_space<vmem>>) offsets(%dma_start3A_11 : memref<128xi32, #tpu.memory_space<vmem>>) semaphore(%dma_start3A_16 : memref<!tpu.dma_semaphore, #tpu.memory_space<semaphore_mem>>)
    %dma_start3A_17 = arith.constant 1 : i32
    %dma_start3A_18 = arith.constant 1 : i32
    %dma_start3A_19 = arith.constant 1 : i32
    %dma_start3A_20 = arith.constant 0 : i32
    %dma_start3A_21 = arith.constant 0 : i32
    %dma_start3A_22 = tpu.memref_slice %arg6[%dma_start3A_18, %dma_start3A_20, %dma_start3A_21] : memref<8x128x64xf32, #tpu.memory_space<vmem>> -> memref<1x128x64xf32, #tpu.memory_space<vmem>>
    %dma_start3A_23 = tpu.memref_squeeze %dma_start3A_22 : memref<1x128x64xf32, #tpu.memory_space<vmem>> -> memref<128x64xf32, #tpu.memory_space<vmem>>
    %dma_start3A_24 = arith.constant 0 : i32
    %dma_start3A_25 = tpu.memref_slice %arg5[%dma_start3A_17, %dma_start3A_24] : memref<200x128xi32, #tpu.memory_space<vmem>> -> memref<1x128xi32, #tpu.memory_space<vmem>>
    %dma_start3A_26 = tpu.memref_squeeze %dma_start3A_25 : memref<1x128xi32, #tpu.memory_space<vmem>> -> memref<128xi32, #tpu.memory_space<vmem>>
    %dma_start3A_27 = arith.constant 0 : i32
    %dma_start3A_28 = arith.constant 0 : i32
    %dma_start3A_29 = tpu.memref_slice %arg3[%dma_start3A_27, %dma_start3A_28] : memref<2000000x64xf32, #tpu.memory_space<hbm>> -> memref<2000000x64xf32, #tpu.memory_space<hbm>>
    %dma_start3A_30 = tpu.memref_slice %arg7[%dma_start3A_19] : memref<8x!tpu.dma_semaphore, #tpu.memory_space<semaphore_mem>> -> memref<1x!tpu.dma_semaphore, #tpu.memory_space<semaphore_mem>>
    %dma_start3A_31 = tpu.memref_squeeze %dma_start3A_30 : memref<1x!tpu.dma_semaphore, #tpu.memory_space<semaphore_mem>> -> memref<!tpu.dma_semaphore, #tpu.memory_space<semaphore_mem>>
    tpu.enqueue_indirect_dma source(%dma_start3A_29 : memref<2000000x64xf32, #tpu.memory_space<hbm>>) target(%dma_start3A_23 : memref<128x64xf32, #tpu.memory_space<vmem>>) offsets(%dma_start3A_26 : memref<128xi32, #tpu.memory_space<vmem>>) semaphore(%dma_start3A_31 : memref<!tpu.dma_semaphore, #tpu.memory_space<semaphore_mem>>)
    %dma_start3A_32 = arith.constant 2 : i32
    %dma_start3A_33 = arith.constant 2 : i32
    %dma_start3A_34 = arith.constant 2 : i32
    %dma_start3A_35 = arith.constant 0 : i32
    %dma_start3A_36 = arith.constant 0 : i32
    %dma_start3A_37 = tpu.memref_slice %arg6[%dma_start3A_33, %dma_start3A_35, %dma_start3A_36] : memref<8x128x64xf32, #tpu.memory_space<vmem>> -> memref<1x128x64xf32, #tpu.memory_space<vmem>>
    %dma_start3A_38 = tpu.memref_squeeze %dma_start3A_37 : memref<1x128x64xf32, #tpu.memory_space<vmem>> -> memref<128x64xf32, #tpu.memory_space<vmem>>
    %dma_start3A_39 = arith.constant 0 : i32
    %dma_start3A_40 = tpu.memref_slice %arg5[%dma_start3A_32, %dma_start3A_39] : memref<200x128xi32, #tpu.memory_space<vmem>> -> memref<1x128xi32, #tpu.memory_space<vmem>>
    %dma_start3A_41 = tpu.memref_squeeze %dma_start3A_40 : memref<1x128xi32, #tpu.memory_space<vmem>> -> memref<128xi32, #tpu.memory_space<vmem>>
    %dma_start3A_42 = arith.constant 0 : i32
    %dma_start3A_43 = arith.constant 0 : i32
    %dma_start3A_44 = tpu.memref_slice %arg3[%dma_start3A_42, %dma_start3A_43] : memref<2000000x64xf32, #tpu.memory_space<hbm>> -> memref<2000000x64xf32, #tpu.memory_space<hbm>>
    %dma_start3A_45 = tpu.memref_slice %arg7[%dma_start3A_34] : memref<8x!tpu.dma_semaphore, #tpu.memory_space<semaphore_mem>> -> memref<1x!tpu.dma_semaphore, #tpu.memory_space<semaphore_mem>>
    %dma_start3A_46 = tpu.memref_squeeze %dma_start3A_45 : memref<1x!tpu.dma_semaphore, #tpu.memory_space<semaphore_mem>> -> memref<!tpu.dma_semaphore, #tpu.memory_space<semaphore_mem>>
    tpu.enqueue_indirect_dma source(%dma_start3A_44 : memref<2000000x64xf32, #tpu.memory_space<hbm>>) target(%dma_start3A_38 : memref<128x64xf32, #tpu.memory_space<vmem>>) offsets(%dma_start3A_41 : memref<128xi32, #tpu.memory_space<vmem>>) semaphore(%dma_start3A_46 : memref<!tpu.dma_semaphore, #tpu.memory_space<semaphore_mem>>)
    %dma_start3A_47 = arith.constant 3 : i32
    %dma_start3A_48 = arith.constant 3 : i32
    %dma_start3A_49 = arith.constant 3 : i32
    %dma_start3A_50 = arith.constant 0 : i32
    %dma_start3A_51 = arith.constant 0 : i32
    %dma_start3A_52 = tpu.memref_slice %arg6[%dma_start3A_48, %dma_start3A_50, %dma_start3A_51] : memref<8x128x64xf32, #tpu.memory_space<vmem>> -> memref<1x128x64xf32, #tpu.memory_space<vmem>>
    %dma_start3A_53 = tpu.memref_squeeze %dma_start3A_52 : memref<1x128x64xf32, #tpu.memory_space<vmem>> -> memref<128x64xf32, #tpu.memory_space<vmem>>
    %dma_start3A_54 = arith.constant 0 : i32
    %dma_start3A_55 = tpu.memref_slice %arg5[%dma_start3A_47, %dma_start3A_54] : memref<200x128xi32, #tpu.memory_space<vmem>> -> memref<1x128xi32, #tpu.memory_space<vmem>>
    %dma_start3A_56 = tpu.memref_squeeze %dma_start3A_55 : memref<1x128xi32, #tpu.memory_space<vmem>> -> memref<128xi32, #tpu.memory_space<vmem>>
    %dma_start3A_57 = arith.constant 0 : i32
    %dma_start3A_58 = arith.constant 0 : i32
    %dma_start3A_59 = tpu.memref_slice %arg3[%dma_start3A_57, %dma_start3A_58] : memref<2000000x64xf32, #tpu.memory_space<hbm>> -> memref<2000000x64xf32, #tpu.memory_space<hbm>>
    %dma_start3A_60 = tpu.memref_slice %arg7[%dma_start3A_49] : memref<8x!tpu.dma_semaphore, #tpu.memory_space<semaphore_mem>> -> memref<1x!tpu.dma_semaphore, #tpu.memory_space<semaphore_mem>>
    %dma_start3A_61 = tpu.memref_squeeze %dma_start3A_60 : memref<1x!tpu.dma_semaphore, #tpu.memory_space<semaphore_mem>> -> memref<!tpu.dma_semaphore, #tpu.memory_space<semaphore_mem>>
    tpu.enqueue_indirect_dma source(%dma_start3A_59 : memref<2000000x64xf32, #tpu.memory_space<hbm>>) target(%dma_start3A_53 : memref<128x64xf32, #tpu.memory_space<vmem>>) offsets(%dma_start3A_56 : memref<128xi32, #tpu.memory_space<vmem>>) semaphore(%dma_start3A_61 : memref<!tpu.dma_semaphore, #tpu.memory_space<semaphore_mem>>)
    %scan3A = arith.constant 0 : i32
    %scan3A_62 = arith.constant 0 : i32
    %scan3A_63 = arith.constant 25 : i32
    %scan3A_64 = arith.addi %scan3A_62, %scan3A_63 : i32
    %scan3A_65 = arith.constant 1 : i32
    scf.for %scan3A_210 = %scan3A_62 to %scan3A_64 step %scan3A_65  : i32 {
      %mul3A_211 = arith.constant 8 : i32
      %mul3A_212 = arith.muli %scan3A_210, %mul3A_211 : i32
      %add3A_213 = arith.constant 0 : i32
      %add3A_214 = arith.addi %mul3A_212, %add3A_213 : i32
      %add3A_215 = arith.constant 4 : i32
      %add3A_216 = arith.addi %add3A_214, %add3A_215 : i32
      %lt3A = arith.constant 200 : i32
      %lt3A_217 = arith.cmpi slt, %add3A_216, %lt3A : i32
      %convert_element_type3A = arith.extui %lt3A_217 : i1 to i32
      %cond3A = arith.constant 0 : i32
      %cond3A_218 = arith.cmpi ne, %convert_element_type3A, %cond3A : i32
      scf.if %cond3A_218 {
        %ge3A = arith.constant 8 : i32
        %ge3A_568 = arith.cmpi sge, %add3A_216, %ge3A : i32
        %convert_element_type3A_569 = arith.extui %ge3A_568 : i1 to i32
        %cond3A_570 = arith.constant 0 : i32
        %cond3A_571 = arith.cmpi ne, %convert_element_type3A_569, %cond3A_570 : i32
        scf.if %cond3A_571 {
          %dma_wait3A_586 = arith.constant 4 : i32
          %dma_wait3A_587 = arith.constant 4 : i32
          %dma_wait3A_588 = arith.constant 0 : i32
          %dma_wait3A_589 = arith.constant 0 : i32
          %dma_wait3A_590 = tpu.memref_slice %arg6[%dma_wait3A_586, %dma_wait3A_588, %dma_wait3A_589] : memref<8x128x64xf32, #tpu.memory_space<vmem>> -> memref<1x128x64xf32, #tpu.memory_space<vmem>>
          %dma_wait3A_591 = tpu.memref_squeeze %dma_wait3A_590 : memref<1x128x64xf32, #tpu.memory_space<vmem>> -> memref<128x64xf32, #tpu.memory_space<vmem>>
          %dma_wait3A_592 = arith.constant 0 : i32
          %dma_wait3A_593 = arith.constant 0 : i32
          %dma_wait3A_594 = tpu.memref_slice %arg4[%dma_wait3A_592, %dma_wait3A_593] : memref<819200x128xf32, #tpu.memory_space<hbm>> -> memref<128x64xf32, #tpu.memory_space<hbm>>
          %dma_wait3A_595 = tpu.memref_slice %arg8[%dma_wait3A_587] : memref<8x!tpu.dma_semaphore, #tpu.memory_space<semaphore_mem>> -> memref<1x!tpu.dma_semaphore, #tpu.memory_space<semaphore_mem>>
          %dma_wait3A_596 = tpu.memref_squeeze %dma_wait3A_595 : memref<1x!tpu.dma_semaphore, #tpu.memory_space<semaphore_mem>> -> memref<!tpu.dma_semaphore, #tpu.memory_space<semaphore_mem>>
          %dma_wait3A_597 = arith.constant 0 : i32
          %dma_wait3A_598 = arith.constant 0 : i32
          %dma_wait3A_599 = tpu.memref_slice %arg4[%dma_wait3A_597, %dma_wait3A_598] : memref<819200x128xf32, #tpu.memory_space<hbm>> -> memref<128x64xf32, #tpu.memory_space<hbm>>
          %dma_wait3A_600 = arith.constant 0 : i32
          %dma_wait3A_601 = arith.constant 0 : i32
          %dma_wait3A_602 = tpu.memref_slice %arg6[%dma_wait3A_586, %dma_wait3A_600, %dma_wait3A_601] : memref<8x128x64xf32, #tpu.memory_space<vmem>> -> memref<1x128x64xf32, #tpu.memory_space<vmem>>
          %dma_wait3A_603 = tpu.memref_squeeze %dma_wait3A_602 : memref<1x128x64xf32, #tpu.memory_space<vmem>> -> memref<128x64xf32, #tpu.memory_space<vmem>>
          tpu.wait_dma2 semaphore(%dma_wait3A_596 : memref<!tpu.dma_semaphore, #tpu.memory_space<semaphore_mem>>) src(%dma_wait3A_603 : memref<128x64xf32, #tpu.memory_space<vmem>>) dst(%dma_wait3A_599 : memref<128x64xf32, #tpu.memory_space<hbm>>)
        } else {
        }
        %dma_start3A_572 = arith.constant 4 : i32
        %dma_start3A_573 = arith.constant 4 : i32
        %dma_start3A_574 = arith.constant 0 : i32
        %dma_start3A_575 = arith.constant 0 : i32
        %dma_start3A_576 = tpu.memref_slice %arg6[%dma_start3A_572, %dma_start3A_574, %dma_start3A_575] : memref<8x128x64xf32, #tpu.memory_space<vmem>> -> memref<1x128x64xf32, #tpu.memory_space<vmem>>
        %dma_start3A_577 = tpu.memref_squeeze %dma_start3A_576 : memref<1x128x64xf32, #tpu.memory_space<vmem>> -> memref<128x64xf32, #tpu.memory_space<vmem>>
        %dma_start3A_578 = arith.constant 0 : i32
        %dma_start3A_579 = tpu.memref_slice %arg5[%add3A_216, %dma_start3A_578] : memref<200x128xi32, #tpu.memory_space<vmem>> -> memref<1x128xi32, #tpu.memory_space<vmem>>
        %dma_start3A_580 = tpu.memref_squeeze %dma_start3A_579 : memref<1x128xi32, #tpu.memory_space<vmem>> -> memref<128xi32, #tpu.memory_space<vmem>>
        %dma_start3A_581 = arith.constant 0 : i32
        %dma_start3A_582 = arith.constant 0 : i32
        %dma_start3A_583 = tpu.memref_slice %arg3[%dma_start3A_581, %dma_start3A_582] : memref<2000000x64xf32, #tpu.memory_space<hbm>> -> memref<2000000x64xf32, #tpu.memory_space<hbm>>
        %dma_start3A_584 = tpu.memref_slice %arg7[%dma_start3A_573] : memref<8x!tpu.dma_semaphore, #tpu.memory_space<semaphore_mem>> -> memref<1x!tpu.dma_semaphore, #tpu.memory_space<semaphore_mem>>
        %dma_start3A_585 = tpu.memref_squeeze %dma_start3A_584 : memref<1x!tpu.dma_semaphore, #tpu.memory_space<semaphore_mem>> -> memref<!tpu.dma_semaphore, #tpu.memory_space<semaphore_mem>>
        tpu.enqueue_indirect_dma source(%dma_start3A_583 : memref<2000000x64xf32, #tpu.memory_space<hbm>>) target(%dma_start3A_577 : memref<128x64xf32, #tpu.memory_space<vmem>>) offsets(%dma_start3A_580 : memref<128xi32, #tpu.memory_space<vmem>>) semaphore(%dma_start3A_585 : memref<!tpu.dma_semaphore, #tpu.memory_space<semaphore_mem>>)
      } else {
      }
      %dma_wait3A_219 = arith.constant 0 : i32
      %dma_wait3A_220 = arith.constant 0 : i32
      %dma_wait3A_221 = arith.constant 0 : i32
      %dma_wait3A_222 = arith.constant 0 : i32
      %dma_wait3A_223 = arith.constant 0 : i32
      %dma_wait3A_224 = tpu.memref_slice %arg6[%dma_wait3A_220, %dma_wait3A_222, %dma_wait3A_223] : memref<8x128x64xf32, #tpu.memory_space<vmem>> -> memref<1x128x64xf32, #tpu.memory_space<vmem>>
      %dma_wait3A_225 = tpu.memref_squeeze %dma_wait3A_224 : memref<1x128x64xf32, #tpu.memory_space<vmem>> -> memref<128x64xf32, #tpu.memory_space<vmem>>
      %dma_wait3A_226 = arith.constant 0 : i32
      %dma_wait3A_227 = tpu.memref_slice %arg5[%dma_wait3A_219, %dma_wait3A_226] : memref<200x128xi32, #tpu.memory_space<vmem>> -> memref<1x128xi32, #tpu.memory_space<vmem>>
      %dma_wait3A_228 = tpu.memref_squeeze %dma_wait3A_227 : memref<1x128xi32, #tpu.memory_space<vmem>> -> memref<128xi32, #tpu.memory_space<vmem>>
      %dma_wait3A_229 = arith.constant 0 : i32
      %dma_wait3A_230 = arith.constant 0 : i32
      %dma_wait3A_231 = tpu.memref_slice %arg3[%dma_wait3A_229, %dma_wait3A_230] : memref<2000000x64xf32, #tpu.memory_space<hbm>> -> memref<2000000x64xf32, #tpu.memory_space<hbm>>
      %dma_wait3A_232 = tpu.memref_slice %arg7[%dma_wait3A_221] : memref<8x!tpu.dma_semaphore, #tpu.memory_space<semaphore_mem>> -> memref<1x!tpu.dma_semaphore, #tpu.memory_space<semaphore_mem>>
      %dma_wait3A_233 = tpu.memref_squeeze %dma_wait3A_232 : memref<1x!tpu.dma_semaphore, #tpu.memory_space<semaphore_mem>> -> memref<!tpu.dma_semaphore, #tpu.memory_space<semaphore_mem>>
      tpu.wait_indirect_dma semaphore(%dma_wait3A_233 : memref<!tpu.dma_semaphore, #tpu.memory_space<semaphore_mem>>) src(%dma_wait3A_231 : memref<2000000x64xf32, #tpu.memory_space<hbm>>) dst(%dma_wait3A_225 : memref<128x64xf32, #tpu.memory_space<vmem>>)
      %add3A_234 = arith.addi %mul3A_2, %add3A_214 : i32
      %mul3A_235 = arith.constant 128 : i32
      %mul3A_236 = arith.muli %add3A_234, %mul3A_235 : i32
      %dma_start3A_237 = arith.constant 0 : i32
      %dma_start3A_238 = arith.constant 0 : i32
      %dma_start3A_239 = arith.constant 0 : i32
      %dma_start3A_240 = arith.constant 0 : i32
      %dma_start3A_241 = tpu.memref_slice %arg6[%dma_start3A_237, %dma_start3A_239, %dma_start3A_240] : memref<8x128x64xf32, #tpu.memory_space<vmem>> -> memref<1x128x64xf32, #tpu.memory_space<vmem>>
      %dma_start3A_242 = tpu.memref_squeeze %dma_start3A_241 : memref<1x128x64xf32, #tpu.memory_space<vmem>> -> memref<128x64xf32, #tpu.memory_space<vmem>>
      %dma_start3A_243 = arith.constant 0 : i32
      %dma_start3A_244 = tpu.memref_slice %arg4[%mul3A_236, %dma_start3A_243] : memref<819200x128xf32, #tpu.memory_space<hbm>> -> memref<128x64xf32, #tpu.memory_space<hbm>>
      %dma_start3A_245 = tpu.memref_slice %arg8[%dma_start3A_238] : memref<8x!tpu.dma_semaphore, #tpu.memory_space<semaphore_mem>> -> memref<1x!tpu.dma_semaphore, #tpu.memory_space<semaphore_mem>>
      %dma_start3A_246 = tpu.memref_squeeze %dma_start3A_245 : memref<1x!tpu.dma_semaphore, #tpu.memory_space<semaphore_mem>> -> memref<!tpu.dma_semaphore, #tpu.memory_space<semaphore_mem>>
      %dma_start3A_247 = arith.constant 0 : i32
      %dma_start3A_248 = tpu.memref_slice %arg4[%mul3A_236, %dma_start3A_247] : memref<819200x128xf32, #tpu.memory_space<hbm>> -> memref<128x64xf32, #tpu.memory_space<hbm>>
      %dma_start3A_249 = arith.constant 0 : i32
      %dma_start3A_250 = arith.constant 0 : i32
      %dma_start3A_251 = tpu.memref_slice %arg6[%dma_start3A_237, %dma_start3A_249, %dma_start3A_250] : memref<8x128x64xf32, #tpu.memory_space<vmem>> -> memref<1x128x64xf32, #tpu.memory_space<vmem>>
      %dma_start3A_252 = tpu.memref_squeeze %dma_start3A_251 : memref<1x128x64xf32, #tpu.memory_space<vmem>> -> memref<128x64xf32, #tpu.memory_space<vmem>>
      tpu.enqueue_dma source(%dma_start3A_252 : memref<128x64xf32, #tpu.memory_space<vmem>>) target(%dma_start3A_248 : memref<128x64xf32, #tpu.memory_space<hbm>>) target_semaphore(%dma_start3A_246 : memref<!tpu.dma_semaphore, #tpu.memory_space<semaphore_mem>>)
      %mul3A_253 = arith.constant 8 : i32
      %mul3A_254 = arith.muli %scan3A_210, %mul3A_253 : i32
      %add3A_255 = arith.constant 1 : i32
      %add3A_256 = arith.addi %mul3A_254, %add3A_255 : i32
      %add3A_257 = arith.constant 4 : i32
      %add3A_258 = arith.addi %add3A_256, %add3A_257 : i32
      %lt3A_259 = arith.constant 200 : i32
      %lt3A_260 = arith.cmpi slt, %add3A_258, %lt3A_259 : i32
      %convert_element_type3A_261 = arith.extui %lt3A_260 : i1 to i32
      %cond3A_262 = arith.constant 0 : i32
      %cond3A_263 = arith.cmpi ne, %convert_element_type3A_261, %cond3A_262 : i32
      scf.if %cond3A_263 {
        %ge3A = arith.constant 8 : i32
        %ge3A_568 = arith.cmpi sge, %add3A_258, %ge3A : i32
        %convert_element_type3A_569 = arith.extui %ge3A_568 : i1 to i32
        %cond3A_570 = arith.constant 0 : i32
        %cond3A_571 = arith.cmpi ne, %convert_element_type3A_569, %cond3A_570 : i32
        scf.if %cond3A_571 {
          %dma_wait3A_586 = arith.constant 5 : i32
          %dma_wait3A_587 = arith.constant 5 : i32
          %dma_wait3A_588 = arith.constant 0 : i32
          %dma_wait3A_589 = arith.constant 0 : i32
          %dma_wait3A_590 = tpu.memref_slice %arg6[%dma_wait3A_586, %dma_wait3A_588, %dma_wait3A_589] : memref<8x128x64xf32, #tpu.memory_space<vmem>> -> memref<1x128x64xf32, #tpu.memory_space<vmem>>
          %dma_wait3A_591 = tpu.memref_squeeze %dma_wait3A_590 : memref<1x128x64xf32, #tpu.memory_space<vmem>> -> memref<128x64xf32, #tpu.memory_space<vmem>>
          %dma_wait3A_592 = arith.constant 0 : i32
          %dma_wait3A_593 = arith.constant 0 : i32
          %dma_wait3A_594 = tpu.memref_slice %arg4[%dma_wait3A_592, %dma_wait3A_593] : memref<819200x128xf32, #tpu.memory_space<hbm>> -> memref<128x64xf32, #tpu.memory_space<hbm>>
          %dma_wait3A_595 = tpu.memref_slice %arg8[%dma_wait3A_587] : memref<8x!tpu.dma_semaphore, #tpu.memory_space<semaphore_mem>> -> memref<1x!tpu.dma_semaphore, #tpu.memory_space<semaphore_mem>>
          %dma_wait3A_596 = tpu.memref_squeeze %dma_wait3A_595 : memref<1x!tpu.dma_semaphore, #tpu.memory_space<semaphore_mem>> -> memref<!tpu.dma_semaphore, #tpu.memory_space<semaphore_mem>>
          %dma_wait3A_597 = arith.constant 0 : i32
          %dma_wait3A_598 = arith.constant 0 : i32
          %dma_wait3A_599 = tpu.memref_slice %arg4[%dma_wait3A_597, %dma_wait3A_598] : memref<819200x128xf32, #tpu.memory_space<hbm>> -> memref<128x64xf32, #tpu.memory_space<hbm>>
          %dma_wait3A_600 = arith.constant 0 : i32
          %dma_wait3A_601 = arith.constant 0 : i32
          %dma_wait3A_602 = tpu.memref_slice %arg6[%dma_wait3A_586, %dma_wait3A_600, %dma_wait3A_601] : memref<8x128x64xf32, #tpu.memory_space<vmem>> -> memref<1x128x64xf32, #tpu.memory_space<vmem>>
          %dma_wait3A_603 = tpu.memref_squeeze %dma_wait3A_602 : memref<1x128x64xf32, #tpu.memory_space<vmem>> -> memref<128x64xf32, #tpu.memory_space<vmem>>
          tpu.wait_dma2 semaphore(%dma_wait3A_596 : memref<!tpu.dma_semaphore, #tpu.memory_space<semaphore_mem>>) src(%dma_wait3A_603 : memref<128x64xf32, #tpu.memory_space<vmem>>) dst(%dma_wait3A_599 : memref<128x64xf32, #tpu.memory_space<hbm>>)
        } else {
        }
        %dma_start3A_572 = arith.constant 5 : i32
        %dma_start3A_573 = arith.constant 5 : i32
        %dma_start3A_574 = arith.constant 0 : i32
        %dma_start3A_575 = arith.constant 0 : i32
        %dma_start3A_576 = tpu.memref_slice %arg6[%dma_start3A_572, %dma_start3A_574, %dma_start3A_575] : memref<8x128x64xf32, #tpu.memory_space<vmem>> -> memref<1x128x64xf32, #tpu.memory_space<vmem>>
        %dma_start3A_577 = tpu.memref_squeeze %dma_start3A_576 : memref<1x128x64xf32, #tpu.memory_space<vmem>> -> memref<128x64xf32, #tpu.memory_space<vmem>>
        %dma_start3A_578 = arith.constant 0 : i32
        %dma_start3A_579 = tpu.memref_slice %arg5[%add3A_258, %dma_start3A_578] : memref<200x128xi32, #tpu.memory_space<vmem>> -> memref<1x128xi32, #tpu.memory_space<vmem>>
        %dma_start3A_580 = tpu.memref_squeeze %dma_start3A_579 : memref<1x128xi32, #tpu.memory_space<vmem>> -> memref<128xi32, #tpu.memory_space<vmem>>
        %dma_start3A_581 = arith.constant 0 : i32
        %dma_start3A_582 = arith.constant 0 : i32
        %dma_start3A_583 = tpu.memref_slice %arg3[%dma_start3A_581, %dma_start3A_582] : memref<2000000x64xf32, #tpu.memory_space<hbm>> -> memref<2000000x64xf32, #tpu.memory_space<hbm>>
        %dma_start3A_584 = tpu.memref_slice %arg7[%dma_start3A_573] : memref<8x!tpu.dma_semaphore, #tpu.memory_space<semaphore_mem>> -> memref<1x!tpu.dma_semaphore, #tpu.memory_space<semaphore_mem>>
        %dma_start3A_585 = tpu.memref_squeeze %dma_start3A_584 : memref<1x!tpu.dma_semaphore, #tpu.memory_space<semaphore_mem>> -> memref<!tpu.dma_semaphore, #tpu.memory_space<semaphore_mem>>
        tpu.enqueue_indirect_dma source(%dma_start3A_583 : memref<2000000x64xf32, #tpu.memory_space<hbm>>) target(%dma_start3A_577 : memref<128x64xf32, #tpu.memory_space<vmem>>) offsets(%dma_start3A_580 : memref<128xi32, #tpu.memory_space<vmem>>) semaphore(%dma_start3A_585 : memref<!tpu.dma_semaphore, #tpu.memory_space<semaphore_mem>>)
      } else {
      }
      %dma_wait3A_264 = arith.constant 0 : i32
      %dma_wait3A_265 = arith.constant 1 : i32
      %dma_wait3A_266 = arith.constant 1 : i32
      %dma_wait3A_267 = arith.constant 0 : i32
      %dma_wait3A_268 = arith.constant 0 : i32
      %dma_wait3A_269 = tpu.memref_slice %arg6[%dma_wait3A_265, %dma_wait3A_267, %dma_wait3A_268] : memref<8x128x64xf32, #tpu.memory_space<vmem>> -> memref<1x128x64xf32, #tpu.memory_space<vmem>>
      %dma_wait3A_270 = tpu.memref_squeeze %dma_wait3A_269 : memref<1x128x64xf32, #tpu.memory_space<vmem>> -> memref<128x64xf32, #tpu.memory_space<vmem>>
      %dma_wait3A_271 = arith.constant 0 : i32
      %dma_wait3A_272 = tpu.memref_slice %arg5[%dma_wait3A_264, %dma_wait3A_271] : memref<200x128xi32, #tpu.memory_space<vmem>> -> memref<1x128xi32, #tpu.memory_space<vmem>>
      %dma_wait3A_273 = tpu.memref_squeeze %dma_wait3A_272 : memref<1x128xi32, #tpu.memory_space<vmem>> -> memref<128xi32, #tpu.memory_space<vmem>>
      %dma_wait3A_274 = arith.constant 0 : i32
      %dma_wait3A_275 = arith.constant 0 : i32
      %dma_wait3A_276 = tpu.memref_slice %arg3[%dma_wait3A_274, %dma_wait3A_275] : memref<2000000x64xf32, #tpu.memory_space<hbm>> -> memref<2000000x64xf32, #tpu.memory_space<hbm>>
      %dma_wait3A_277 = tpu.memref_slice %arg7[%dma_wait3A_266] : memref<8x!tpu.dma_semaphore, #tpu.memory_space<semaphore_mem>> -> memref<1x!tpu.dma_semaphore, #tpu.memory_space<semaphore_mem>>
      %dma_wait3A_278 = tpu.memref_squeeze %dma_wait3A_277 : memref<1x!tpu.dma_semaphore, #tpu.memory_space<semaphore_mem>> -> memref<!tpu.dma_semaphore, #tpu.memory_space<semaphore_mem>>
      tpu.wait_indirect_dma semaphore(%dma_wait3A_278 : memref<!tpu.dma_semaphore, #tpu.memory_space<semaphore_mem>>) src(%dma_wait3A_276 : memref<2000000x64xf32, #tpu.memory_space<hbm>>) dst(%dma_wait3A_270 : memref<128x64xf32, #tpu.memory_space<vmem>>)
      %add3A_279 = arith.addi %mul3A_2, %add3A_256 : i32
      %mul3A_280 = arith.constant 128 : i32
      %mul3A_281 = arith.muli %add3A_279, %mul3A_280 : i32
      %dma_start3A_282 = arith.constant 1 : i32
      %dma_start3A_283 = arith.constant 1 : i32
      %dma_start3A_284 = arith.constant 0 : i32
      %dma_start3A_285 = arith.constant 0 : i32
      %dma_start3A_286 = tpu.memref_slice %arg6[%dma_start3A_282, %dma_start3A_284, %dma_start3A_285] : memref<8x128x64xf32, #tpu.memory_space<vmem>> -> memref<1x128x64xf32, #tpu.memory_space<vmem>>
      %dma_start3A_287 = tpu.memref_squeeze %dma_start3A_286 : memref<1x128x64xf32, #tpu.memory_space<vmem>> -> memref<128x64xf32, #tpu.memory_space<vmem>>
      %dma_start3A_288 = arith.constant 0 : i32
      %dma_start3A_289 = tpu.memref_slice %arg4[%mul3A_281, %dma_start3A_288] : memref<819200x128xf32, #tpu.memory_space<hbm>> -> memref<128x64xf32, #tpu.memory_space<hbm>>
      %dma_start3A_290 = tpu.memref_slice %arg8[%dma_start3A_283] : memref<8x!tpu.dma_semaphore, #tpu.memory_space<semaphore_mem>> -> memref<1x!tpu.dma_semaphore, #tpu.memory_space<semaphore_mem>>
      %dma_start3A_291 = tpu.memref_squeeze %dma_start3A_290 : memref<1x!tpu.dma_semaphore, #tpu.memory_space<semaphore_mem>> -> memref<!tpu.dma_semaphore, #tpu.memory_space<semaphore_mem>>
      %dma_start3A_292 = arith.constant 0 : i32
      %dma_start3A_293 = tpu.memref_slice %arg4[%mul3A_281, %dma_start3A_292] : memref<819200x128xf32, #tpu.memory_space<hbm>> -> memref<128x64xf32, #tpu.memory_space<hbm>>
      %dma_start3A_294 = arith.constant 0 : i32
      %dma_start3A_295 = arith.constant 0 : i32
      %dma_start3A_296 = tpu.memref_slice %arg6[%dma_start3A_282, %dma_start3A_294, %dma_start3A_295] : memref<8x128x64xf32, #tpu.memory_space<vmem>> -> memref<1x128x64xf32, #tpu.memory_space<vmem>>
      %dma_start3A_297 = tpu.memref_squeeze %dma_start3A_296 : memref<1x128x64xf32, #tpu.memory_space<vmem>> -> memref<128x64xf32, #tpu.memory_space<vmem>>
      tpu.enqueue_dma source(%dma_start3A_297 : memref<128x64xf32, #tpu.memory_space<vmem>>) target(%dma_start3A_293 : memref<128x64xf32, #tpu.memory_space<hbm>>) target_semaphore(%dma_start3A_291 : memref<!tpu.dma_semaphore, #tpu.memory_space<semaphore_mem>>)
      %mul3A_298 = arith.constant 8 : i32
      %mul3A_299 = arith.muli %scan3A_210, %mul3A_298 : i32
      %add3A_300 = arith.constant 2 : i32
      %add3A_301 = arith.addi %mul3A_299, %add3A_300 : i32
      %add3A_302 = arith.constant 4 : i32
      %add3A_303 = arith.addi %add3A_301, %add3A_302 : i32
      %lt3A_304 = arith.constant 200 : i32
      %lt3A_305 = arith.cmpi slt, %add3A_303, %lt3A_304 : i32
      %convert_element_type3A_306 = arith.extui %lt3A_305 : i1 to i32
      %cond3A_307 = arith.constant 0 : i32
      %cond3A_308 = arith.cmpi ne, %convert_element_type3A_306, %cond3A_307 : i32
      scf.if %cond3A_308 {
        %ge3A = arith.constant 8 : i32
        %ge3A_568 = arith.cmpi sge, %add3A_303, %ge3A : i32
        %convert_element_type3A_569 = arith.extui %ge3A_568 : i1 to i32
        %cond3A_570 = arith.constant 0 : i32
        %cond3A_571 = arith.cmpi ne, %convert_element_type3A_569, %cond3A_570 : i32
        scf.if %cond3A_571 {
          %dma_wait3A_586 = arith.constant 6 : i32
          %dma_wait3A_587 = arith.constant 6 : i32
          %dma_wait3A_588 = arith.constant 0 : i32
          %dma_wait3A_589 = arith.constant 0 : i32
          %dma_wait3A_590 = tpu.memref_slice %arg6[%dma_wait3A_586, %dma_wait3A_588, %dma_wait3A_589] : memref<8x128x64xf32, #tpu.memory_space<vmem>> -> memref<1x128x64xf32, #tpu.memory_space<vmem>>
          %dma_wait3A_591 = tpu.memref_squeeze %dma_wait3A_590 : memref<1x128x64xf32, #tpu.memory_space<vmem>> -> memref<128x64xf32, #tpu.memory_space<vmem>>
          %dma_wait3A_592 = arith.constant 0 : i32
          %dma_wait3A_593 = arith.constant 0 : i32
          %dma_wait3A_594 = tpu.memref_slice %arg4[%dma_wait3A_592, %dma_wait3A_593] : memref<819200x128xf32, #tpu.memory_space<hbm>> -> memref<128x64xf32, #tpu.memory_space<hbm>>
          %dma_wait3A_595 = tpu.memref_slice %arg8[%dma_wait3A_587] : memref<8x!tpu.dma_semaphore, #tpu.memory_space<semaphore_mem>> -> memref<1x!tpu.dma_semaphore, #tpu.memory_space<semaphore_mem>>
          %dma_wait3A_596 = tpu.memref_squeeze %dma_wait3A_595 : memref<1x!tpu.dma_semaphore, #tpu.memory_space<semaphore_mem>> -> memref<!tpu.dma_semaphore, #tpu.memory_space<semaphore_mem>>
          %dma_wait3A_597 = arith.constant 0 : i32
          %dma_wait3A_598 = arith.constant 0 : i32
          %dma_wait3A_599 = tpu.memref_slice %arg4[%dma_wait3A_597, %dma_wait3A_598] : memref<819200x128xf32, #tpu.memory_space<hbm>> -> memref<128x64xf32, #tpu.memory_space<hbm>>
          %dma_wait3A_600 = arith.constant 0 : i32
          %dma_wait3A_601 = arith.constant 0 : i32
          %dma_wait3A_602 = tpu.memref_slice %arg6[%dma_wait3A_586, %dma_wait3A_600, %dma_wait3A_601] : memref<8x128x64xf32, #tpu.memory_space<vmem>> -> memref<1x128x64xf32, #tpu.memory_space<vmem>>
          %dma_wait3A_603 = tpu.memref_squeeze %dma_wait3A_602 : memref<1x128x64xf32, #tpu.memory_space<vmem>> -> memref<128x64xf32, #tpu.memory_space<vmem>>
          tpu.wait_dma2 semaphore(%dma_wait3A_596 : memref<!tpu.dma_semaphore, #tpu.memory_space<semaphore_mem>>) src(%dma_wait3A_603 : memref<128x64xf32, #tpu.memory_space<vmem>>) dst(%dma_wait3A_599 : memref<128x64xf32, #tpu.memory_space<hbm>>)
        } else {
        }
        %dma_start3A_572 = arith.constant 6 : i32
        %dma_start3A_573 = arith.constant 6 : i32
        %dma_start3A_574 = arith.constant 0 : i32
        %dma_start3A_575 = arith.constant 0 : i32
        %dma_start3A_576 = tpu.memref_slice %arg6[%dma_start3A_572, %dma_start3A_574, %dma_start3A_575] : memref<8x128x64xf32, #tpu.memory_space<vmem>> -> memref<1x128x64xf32, #tpu.memory_space<vmem>>
        %dma_start3A_577 = tpu.memref_squeeze %dma_start3A_576 : memref<1x128x64xf32, #tpu.memory_space<vmem>> -> memref<128x64xf32, #tpu.memory_space<vmem>>
        %dma_start3A_578 = arith.constant 0 : i32
        %dma_start3A_579 = tpu.memref_slice %arg5[%add3A_303, %dma_start3A_578] : memref<200x128xi32, #tpu.memory_space<vmem>> -> memref<1x128xi32, #tpu.memory_space<vmem>>
        %dma_start3A_580 = tpu.memref_squeeze %dma_start3A_579 : memref<1x128xi32, #tpu.memory_space<vmem>> -> memref<128xi32, #tpu.memory_space<vmem>>
        %dma_start3A_581 = arith.constant 0 : i32
        %dma_start3A_582 = arith.constant 0 : i32
        %dma_start3A_583 = tpu.memref_slice %arg3[%dma_start3A_581, %dma_start3A_582] : memref<2000000x64xf32, #tpu.memory_space<hbm>> -> memref<2000000x64xf32, #tpu.memory_space<hbm>>
        %dma_start3A_584 = tpu.memref_slice %arg7[%dma_start3A_573] : memref<8x!tpu.dma_semaphore, #tpu.memory_space<semaphore_mem>> -> memref<1x!tpu.dma_semaphore, #tpu.memory_space<semaphore_mem>>
        %dma_start3A_585 = tpu.memref_squeeze %dma_start3A_584 : memref<1x!tpu.dma_semaphore, #tpu.memory_space<semaphore_mem>> -> memref<!tpu.dma_semaphore, #tpu.memory_space<semaphore_mem>>
        tpu.enqueue_indirect_dma source(%dma_start3A_583 : memref<2000000x64xf32, #tpu.memory_space<hbm>>) target(%dma_start3A_577 : memref<128x64xf32, #tpu.memory_space<vmem>>) offsets(%dma_start3A_580 : memref<128xi32, #tpu.memory_space<vmem>>) semaphore(%dma_start3A_585 : memref<!tpu.dma_semaphore, #tpu.memory_space<semaphore_mem>>)
      } else {
      }
      %dma_wait3A_309 = arith.constant 0 : i32
      %dma_wait3A_310 = arith.constant 2 : i32
      %dma_wait3A_311 = arith.constant 2 : i32
      %dma_wait3A_312 = arith.constant 0 : i32
      %dma_wait3A_313 = arith.constant 0 : i32
      %dma_wait3A_314 = tpu.memref_slice %arg6[%dma_wait3A_310, %dma_wait3A_312, %dma_wait3A_313] : memref<8x128x64xf32, #tpu.memory_space<vmem>> -> memref<1x128x64xf32, #tpu.memory_space<vmem>>
      %dma_wait3A_315 = tpu.memref_squeeze %dma_wait3A_314 : memref<1x128x64xf32, #tpu.memory_space<vmem>> -> memref<128x64xf32, #tpu.memory_space<vmem>>
      %dma_wait3A_316 = arith.constant 0 : i32
      %dma_wait3A_317 = tpu.memref_slice %arg5[%dma_wait3A_309, %dma_wait3A_316] : memref<200x128xi32, #tpu.memory_space<vmem>> -> memref<1x128xi32, #tpu.memory_space<vmem>>
      %dma_wait3A_318 = tpu.memref_squeeze %dma_wait3A_317 : memref<1x128xi32, #tpu.memory_space<vmem>> -> memref<128xi32, #tpu.memory_space<vmem>>
      %dma_wait3A_319 = arith.constant 0 : i32
      %dma_wait3A_320 = arith.constant 0 : i32
      %dma_wait3A_321 = tpu.memref_slice %arg3[%dma_wait3A_319, %dma_wait3A_320] : memref<2000000x64xf32, #tpu.memory_space<hbm>> -> memref<2000000x64xf32, #tpu.memory_space<hbm>>
      %dma_wait3A_322 = tpu.memref_slice %arg7[%dma_wait3A_311] : memref<8x!tpu.dma_semaphore, #tpu.memory_space<semaphore_mem>> -> memref<1x!tpu.dma_semaphore, #tpu.memory_space<semaphore_mem>>
      %dma_wait3A_323 = tpu.memref_squeeze %dma_wait3A_322 : memref<1x!tpu.dma_semaphore, #tpu.memory_space<semaphore_mem>> -> memref<!tpu.dma_semaphore, #tpu.memory_space<semaphore_mem>>
      tpu.wait_indirect_dma semaphore(%dma_wait3A_323 : memref<!tpu.dma_semaphore, #tpu.memory_space<semaphore_mem>>) src(%dma_wait3A_321 : memref<2000000x64xf32, #tpu.memory_space<hbm>>) dst(%dma_wait3A_315 : memref<128x64xf32, #tpu.memory_space<vmem>>)
      %add3A_324 = arith.addi %mul3A_2, %add3A_301 : i32
      %mul3A_325 = arith.constant 128 : i32
      %mul3A_326 = arith.muli %add3A_324, %mul3A_325 : i32
      %dma_start3A_327 = arith.constant 2 : i32
      %dma_start3A_328 = arith.constant 2 : i32
      %dma_start3A_329 = arith.constant 0 : i32
      %dma_start3A_330 = arith.constant 0 : i32
      %dma_start3A_331 = tpu.memref_slice %arg6[%dma_start3A_327, %dma_start3A_329, %dma_start3A_330] : memref<8x128x64xf32, #tpu.memory_space<vmem>> -> memref<1x128x64xf32, #tpu.memory_space<vmem>>
      %dma_start3A_332 = tpu.memref_squeeze %dma_start3A_331 : memref<1x128x64xf32, #tpu.memory_space<vmem>> -> memref<128x64xf32, #tpu.memory_space<vmem>>
      %dma_start3A_333 = arith.constant 0 : i32
      %dma_start3A_334 = tpu.memref_slice %arg4[%mul3A_326, %dma_start3A_333] : memref<819200x128xf32, #tpu.memory_space<hbm>> -> memref<128x64xf32, #tpu.memory_space<hbm>>
      %dma_start3A_335 = tpu.memref_slice %arg8[%dma_start3A_328] : memref<8x!tpu.dma_semaphore, #tpu.memory_space<semaphore_mem>> -> memref<1x!tpu.dma_semaphore, #tpu.memory_space<semaphore_mem>>
      %dma_start3A_336 = tpu.memref_squeeze %dma_start3A_335 : memref<1x!tpu.dma_semaphore, #tpu.memory_space<semaphore_mem>> -> memref<!tpu.dma_semaphore, #tpu.memory_space<semaphore_mem>>
      %dma_start3A_337 = arith.constant 0 : i32
      %dma_start3A_338 = tpu.memref_slice %arg4[%mul3A_326, %dma_start3A_337] : memref<819200x128xf32, #tpu.memory_space<hbm>> -> memref<128x64xf32, #tpu.memory_space<hbm>>
      %dma_start3A_339 = arith.constant 0 : i32
      %dma_start3A_340 = arith.constant 0 : i32
      %dma_start3A_341 = tpu.memref_slice %arg6[%dma_start3A_327, %dma_start3A_339, %dma_start3A_340] : memref<8x128x64xf32, #tpu.memory_space<vmem>> -> memref<1x128x64xf32, #tpu.memory_space<vmem>>
      %dma_start3A_342 = tpu.memref_squeeze %dma_start3A_341 : memref<1x128x64xf32, #tpu.memory_space<vmem>> -> memref<128x64xf32, #tpu.memory_space<vmem>>
      tpu.enqueue_dma source(%dma_start3A_342 : memref<128x64xf32, #tpu.memory_space<vmem>>) target(%dma_start3A_338 : memref<128x64xf32, #tpu.memory_space<hbm>>) target_semaphore(%dma_start3A_336 : memref<!tpu.dma_semaphore, #tpu.memory_space<semaphore_mem>>)
      %mul3A_343 = arith.constant 8 : i32
      %mul3A_344 = arith.muli %scan3A_210, %mul3A_343 : i32
      %add3A_345 = arith.constant 3 : i32
      %add3A_346 = arith.addi %mul3A_344, %add3A_345 : i32
      %add3A_347 = arith.constant 4 : i32
      %add3A_348 = arith.addi %add3A_346, %add3A_347 : i32
      %lt3A_349 = arith.constant 200 : i32
      %lt3A_350 = arith.cmpi slt, %add3A_348, %lt3A_349 : i32
      %convert_element_type3A_351 = arith.extui %lt3A_350 : i1 to i32
      %cond3A_352 = arith.constant 0 : i32
      %cond3A_353 = arith.cmpi ne, %convert_element_type3A_351, %cond3A_352 : i32
      scf.if %cond3A_353 {
        %ge3A = arith.constant 8 : i32
        %ge3A_568 = arith.cmpi sge, %add3A_348, %ge3A : i32
        %convert_element_type3A_569 = arith.extui %ge3A_568 : i1 to i32
        %cond3A_570 = arith.constant 0 : i32
        %cond3A_571 = arith.cmpi ne, %convert_element_type3A_569, %cond3A_570 : i32
        scf.if %cond3A_571 {
          %dma_wait3A_586 = arith.constant 7 : i32
          %dma_wait3A_587 = arith.constant 7 : i32
          %dma_wait3A_588 = arith.constant 0 : i32
          %dma_wait3A_589 = arith.constant 0 : i32
          %dma_wait3A_590 = tpu.memref_slice %arg6[%dma_wait3A_586, %dma_wait3A_588, %dma_wait3A_589] : memref<8x128x64xf32, #tpu.memory_space<vmem>> -> memref<1x128x64xf32, #tpu.memory_space<vmem>>
          %dma_wait3A_591 = tpu.memref_squeeze %dma_wait3A_590 : memref<1x128x64xf32, #tpu.memory_space<vmem>> -> memref<128x64xf32, #tpu.memory_space<vmem>>
          %dma_wait3A_592 = arith.constant 0 : i32
          %dma_wait3A_593 = arith.constant 0 : i32
          %dma_wait3A_594 = tpu.memref_slice %arg4[%dma_wait3A_592, %dma_wait3A_593] : memref<819200x128xf32, #tpu.memory_space<hbm>> -> memref<128x64xf32, #tpu.memory_space<hbm>>
          %dma_wait3A_595 = tpu.memref_slice %arg8[%dma_wait3A_587] : memref<8x!tpu.dma_semaphore, #tpu.memory_space<semaphore_mem>> -> memref<1x!tpu.dma_semaphore, #tpu.memory_space<semaphore_mem>>
          %dma_wait3A_596 = tpu.memref_squeeze %dma_wait3A_595 : memref<1x!tpu.dma_semaphore, #tpu.memory_space<semaphore_mem>> -> memref<!tpu.dma_semaphore, #tpu.memory_space<semaphore_mem>>
          %dma_wait3A_597 = arith.constant 0 : i32
          %dma_wait3A_598 = arith.constant 0 : i32
          %dma_wait3A_599 = tpu.memref_slice %arg4[%dma_wait3A_597, %dma_wait3A_598] : memref<819200x128xf32, #tpu.memory_space<hbm>> -> memref<128x64xf32, #tpu.memory_space<hbm>>
          %dma_wait3A_600 = arith.constant 0 : i32
          %dma_wait3A_601 = arith.constant 0 : i32
          %dma_wait3A_602 = tpu.memref_slice %arg6[%dma_wait3A_586, %dma_wait3A_600, %dma_wait3A_601] : memref<8x128x64xf32, #tpu.memory_space<vmem>> -> memref<1x128x64xf32, #tpu.memory_space<vmem>>
          %dma_wait3A_603 = tpu.memref_squeeze %dma_wait3A_602 : memref<1x128x64xf32, #tpu.memory_space<vmem>> -> memref<128x64xf32, #tpu.memory_space<vmem>>
          tpu.wait_dma2 semaphore(%dma_wait3A_596 : memref<!tpu.dma_semaphore, #tpu.memory_space<semaphore_mem>>) src(%dma_wait3A_603 : memref<128x64xf32, #tpu.memory_space<vmem>>) dst(%dma_wait3A_599 : memref<128x64xf32, #tpu.memory_space<hbm>>)
        } else {
        }
        %dma_start3A_572 = arith.constant 7 : i32
        %dma_start3A_573 = arith.constant 7 : i32
        %dma_start3A_574 = arith.constant 0 : i32
        %dma_start3A_575 = arith.constant 0 : i32
        %dma_start3A_576 = tpu.memref_slice %arg6[%dma_start3A_572, %dma_start3A_574, %dma_start3A_575] : memref<8x128x64xf32, #tpu.memory_space<vmem>> -> memref<1x128x64xf32, #tpu.memory_space<vmem>>
        %dma_start3A_577 = tpu.memref_squeeze %dma_start3A_576 : memref<1x128x64xf32, #tpu.memory_space<vmem>> -> memref<128x64xf32, #tpu.memory_space<vmem>>
        %dma_start3A_578 = arith.constant 0 : i32
        %dma_start3A_579 = tpu.memref_slice %arg5[%add3A_348, %dma_start3A_578] : memref<200x128xi32, #tpu.memory_space<vmem>> -> memref<1x128xi32, #tpu.memory_space<vmem>>
        %dma_start3A_580 = tpu.memref_squeeze %dma_start3A_579 : memref<1x128xi32, #tpu.memory_space<vmem>> -> memref<128xi32, #tpu.memory_space<vmem>>
        %dma_start3A_581 = arith.constant 0 : i32
        %dma_start3A_582 = arith.constant 0 : i32
        %dma_start3A_583 = tpu.memref_slice %arg3[%dma_start3A_581, %dma_start3A_582] : memref<2000000x64xf32, #tpu.memory_space<hbm>> -> memref<2000000x64xf32, #tpu.memory_space<hbm>>
        %dma_start3A_584 = tpu.memref_slice %arg7[%dma_start3A_573] : memref<8x!tpu.dma_semaphore, #tpu.memory_space<semaphore_mem>> -> memref<1x!tpu.dma_semaphore, #tpu.memory_space<semaphore_mem>>
        %dma_start3A_585 = tpu.memref_squeeze %dma_start3A_584 : memref<1x!tpu.dma_semaphore, #tpu.memory_space<semaphore_mem>> -> memref<!tpu.dma_semaphore, #tpu.memory_space<semaphore_mem>>
        tpu.enqueue_indirect_dma source(%dma_start3A_583 : memref<2000000x64xf32, #tpu.memory_space<hbm>>) target(%dma_start3A_577 : memref<128x64xf32, #tpu.memory_space<vmem>>) offsets(%dma_start3A_580 : memref<128xi32, #tpu.memory_space<vmem>>) semaphore(%dma_start3A_585 : memref<!tpu.dma_semaphore, #tpu.memory_space<semaphore_mem>>)
      } else {
      }
      %dma_wait3A_354 = arith.constant 0 : i32
      %dma_wait3A_355 = arith.constant 3 : i32
      %dma_wait3A_356 = arith.constant 3 : i32
      %dma_wait3A_357 = arith.constant 0 : i32
      %dma_wait3A_358 = arith.constant 0 : i32
      %dma_wait3A_359 = tpu.memref_slice %arg6[%dma_wait3A_355, %dma_wait3A_357, %dma_wait3A_358] : memref<8x128x64xf32, #tpu.memory_space<vmem>> -> memref<1x128x64xf32, #tpu.memory_space<vmem>>
      %dma_wait3A_360 = tpu.memref_squeeze %dma_wait3A_359 : memref<1x128x64xf32, #tpu.memory_space<vmem>> -> memref<128x64xf32, #tpu.memory_space<vmem>>
      %dma_wait3A_361 = arith.constant 0 : i32
      %dma_wait3A_362 = tpu.memref_slice %arg5[%dma_wait3A_354, %dma_wait3A_361] : memref<200x128xi32, #tpu.memory_space<vmem>> -> memref<1x128xi32, #tpu.memory_space<vmem>>
      %dma_wait3A_363 = tpu.memref_squeeze %dma_wait3A_362 : memref<1x128xi32, #tpu.memory_space<vmem>> -> memref<128xi32, #tpu.memory_space<vmem>>
      %dma_wait3A_364 = arith.constant 0 : i32
      %dma_wait3A_365 = arith.constant 0 : i32
      %dma_wait3A_366 = tpu.memref_slice %arg3[%dma_wait3A_364, %dma_wait3A_365] : memref<2000000x64xf32, #tpu.memory_space<hbm>> -> memref<2000000x64xf32, #tpu.memory_space<hbm>>
      %dma_wait3A_367 = tpu.memref_slice %arg7[%dma_wait3A_356] : memref<8x!tpu.dma_semaphore, #tpu.memory_space<semaphore_mem>> -> memref<1x!tpu.dma_semaphore, #tpu.memory_space<semaphore_mem>>
      %dma_wait3A_368 = tpu.memref_squeeze %dma_wait3A_367 : memref<1x!tpu.dma_semaphore, #tpu.memory_space<semaphore_mem>> -> memref<!tpu.dma_semaphore, #tpu.memory_space<semaphore_mem>>
      tpu.wait_indirect_dma semaphore(%dma_wait3A_368 : memref<!tpu.dma_semaphore, #tpu.memory_space<semaphore_mem>>) src(%dma_wait3A_366 : memref<2000000x64xf32, #tpu.memory_space<hbm>>) dst(%dma_wait3A_360 : memref<128x64xf32, #tpu.memory_space<vmem>>)
      %add3A_369 = arith.addi %mul3A_2, %add3A_346 : i32
      %mul3A_370 = arith.constant 128 : i32
      %mul3A_371 = arith.muli %add3A_369, %mul3A_370 : i32
      %dma_start3A_372 = arith.constant 3 : i32
      %dma_start3A_373 = arith.constant 3 : i32
      %dma_start3A_374 = arith.constant 0 : i32
      %dma_start3A_375 = arith.constant 0 : i32
      %dma_start3A_376 = tpu.memref_slice %arg6[%dma_start3A_372, %dma_start3A_374, %dma_start3A_375] : memref<8x128x64xf32, #tpu.memory_space<vmem>> -> memref<1x128x64xf32, #tpu.memory_space<vmem>>
      %dma_start3A_377 = tpu.memref_squeeze %dma_start3A_376 : memref<1x128x64xf32, #tpu.memory_space<vmem>> -> memref<128x64xf32, #tpu.memory_space<vmem>>
      %dma_start3A_378 = arith.constant 0 : i32
      %dma_start3A_379 = tpu.memref_slice %arg4[%mul3A_371, %dma_start3A_378] : memref<819200x128xf32, #tpu.memory_space<hbm>> -> memref<128x64xf32, #tpu.memory_space<hbm>>
      %dma_start3A_380 = tpu.memref_slice %arg8[%dma_start3A_373] : memref<8x!tpu.dma_semaphore, #tpu.memory_space<semaphore_mem>> -> memref<1x!tpu.dma_semaphore, #tpu.memory_space<semaphore_mem>>
      %dma_start3A_381 = tpu.memref_squeeze %dma_start3A_380 : memref<1x!tpu.dma_semaphore, #tpu.memory_space<semaphore_mem>> -> memref<!tpu.dma_semaphore, #tpu.memory_space<semaphore_mem>>
      %dma_start3A_382 = arith.constant 0 : i32
      %dma_start3A_383 = tpu.memref_slice %arg4[%mul3A_371, %dma_start3A_382] : memref<819200x128xf32, #tpu.memory_space<hbm>> -> memref<128x64xf32, #tpu.memory_space<hbm>>
      %dma_start3A_384 = arith.constant 0 : i32
      %dma_start3A_385 = arith.constant 0 : i32
      %dma_start3A_386 = tpu.memref_slice %arg6[%dma_start3A_372, %dma_start3A_384, %dma_start3A_385] : memref<8x128x64xf32, #tpu.memory_space<vmem>> -> memref<1x128x64xf32, #tpu.memory_space<vmem>>
      %dma_start3A_387 = tpu.memref_squeeze %dma_start3A_386 : memref<1x128x64xf32, #tpu.memory_space<vmem>> -> memref<128x64xf32, #tpu.memory_space<vmem>>
      tpu.enqueue_dma source(%dma_start3A_387 : memref<128x64xf32, #tpu.memory_space<vmem>>) target(%dma_start3A_383 : memref<128x64xf32, #tpu.memory_space<hbm>>) target_semaphore(%dma_start3A_381 : memref<!tpu.dma_semaphore, #tpu.memory_space<semaphore_mem>>)
      %mul3A_388 = arith.constant 8 : i32
      %mul3A_389 = arith.muli %scan3A_210, %mul3A_388 : i32
      %add3A_390 = arith.constant 4 : i32
      %add3A_391 = arith.addi %mul3A_389, %add3A_390 : i32
      %add3A_392 = arith.constant 4 : i32
      %add3A_393 = arith.addi %add3A_391, %add3A_392 : i32
      %lt3A_394 = arith.constant 200 : i32
      %lt3A_395 = arith.cmpi slt, %add3A_393, %lt3A_394 : i32
      %convert_element_type3A_396 = arith.extui %lt3A_395 : i1 to i32
      %cond3A_397 = arith.constant 0 : i32
      %cond3A_398 = arith.cmpi ne, %convert_element_type3A_396, %cond3A_397 : i32
      scf.if %cond3A_398 {
        %ge3A = arith.constant 8 : i32
        %ge3A_568 = arith.cmpi sge, %add3A_393, %ge3A : i32
        %convert_element_type3A_569 = arith.extui %ge3A_568 : i1 to i32
        %cond3A_570 = arith.constant 0 : i32
        %cond3A_571 = arith.cmpi ne, %convert_element_type3A_569, %cond3A_570 : i32
        scf.if %cond3A_571 {
          %dma_wait3A_586 = arith.constant 0 : i32
          %dma_wait3A_587 = arith.constant 0 : i32
          %dma_wait3A_588 = arith.constant 0 : i32
          %dma_wait3A_589 = arith.constant 0 : i32
          %dma_wait3A_590 = tpu.memref_slice %arg6[%dma_wait3A_586, %dma_wait3A_588, %dma_wait3A_589] : memref<8x128x64xf32, #tpu.memory_space<vmem>> -> memref<1x128x64xf32, #tpu.memory_space<vmem>>
          %dma_wait3A_591 = tpu.memref_squeeze %dma_wait3A_590 : memref<1x128x64xf32, #tpu.memory_space<vmem>> -> memref<128x64xf32, #tpu.memory_space<vmem>>
          %dma_wait3A_592 = arith.constant 0 : i32
          %dma_wait3A_593 = arith.constant 0 : i32
          %dma_wait3A_594 = tpu.memref_slice %arg4[%dma_wait3A_592, %dma_wait3A_593] : memref<819200x128xf32, #tpu.memory_space<hbm>> -> memref<128x64xf32, #tpu.memory_space<hbm>>
          %dma_wait3A_595 = tpu.memref_slice %arg8[%dma_wait3A_587] : memref<8x!tpu.dma_semaphore, #tpu.memory_space<semaphore_mem>> -> memref<1x!tpu.dma_semaphore, #tpu.memory_space<semaphore_mem>>
          %dma_wait3A_596 = tpu.memref_squeeze %dma_wait3A_595 : memref<1x!tpu.dma_semaphore, #tpu.memory_space<semaphore_mem>> -> memref<!tpu.dma_semaphore, #tpu.memory_space<semaphore_mem>>
          %dma_wait3A_597 = arith.constant 0 : i32
          %dma_wait3A_598 = arith.constant 0 : i32
          %dma_wait3A_599 = tpu.memref_slice %arg4[%dma_wait3A_597, %dma_wait3A_598] : memref<819200x128xf32, #tpu.memory_space<hbm>> -> memref<128x64xf32, #tpu.memory_space<hbm>>
          %dma_wait3A_600 = arith.constant 0 : i32
          %dma_wait3A_601 = arith.constant 0 : i32
          %dma_wait3A_602 = tpu.memref_slice %arg6[%dma_wait3A_586, %dma_wait3A_600, %dma_wait3A_601] : memref<8x128x64xf32, #tpu.memory_space<vmem>> -> memref<1x128x64xf32, #tpu.memory_space<vmem>>
          %dma_wait3A_603 = tpu.memref_squeeze %dma_wait3A_602 : memref<1x128x64xf32, #tpu.memory_space<vmem>> -> memref<128x64xf32, #tpu.memory_space<vmem>>
          tpu.wait_dma2 semaphore(%dma_wait3A_596 : memref<!tpu.dma_semaphore, #tpu.memory_space<semaphore_mem>>) src(%dma_wait3A_603 : memref<128x64xf32, #tpu.memory_space<vmem>>) dst(%dma_wait3A_599 : memref<128x64xf32, #tpu.memory_space<hbm>>)
        } else {
        }
        %dma_start3A_572 = arith.constant 0 : i32
        %dma_start3A_573 = arith.constant 0 : i32
        %dma_start3A_574 = arith.constant 0 : i32
        %dma_start3A_575 = arith.constant 0 : i32
        %dma_start3A_576 = tpu.memref_slice %arg6[%dma_start3A_572, %dma_start3A_574, %dma_start3A_575] : memref<8x128x64xf32, #tpu.memory_space<vmem>> -> memref<1x128x64xf32, #tpu.memory_space<vmem>>
        %dma_start3A_577 = tpu.memref_squeeze %dma_start3A_576 : memref<1x128x64xf32, #tpu.memory_space<vmem>> -> memref<128x64xf32, #tpu.memory_space<vmem>>
        %dma_start3A_578 = arith.constant 0 : i32
        %dma_start3A_579 = tpu.memref_slice %arg5[%add3A_393, %dma_start3A_578] : memref<200x128xi32, #tpu.memory_space<vmem>> -> memref<1x128xi32, #tpu.memory_space<vmem>>
        %dma_start3A_580 = tpu.memref_squeeze %dma_start3A_579 : memref<1x128xi32, #tpu.memory_space<vmem>> -> memref<128xi32, #tpu.memory_space<vmem>>
        %dma_start3A_581 = arith.constant 0 : i32
        %dma_start3A_582 = arith.constant 0 : i32
        %dma_start3A_583 = tpu.memref_slice %arg3[%dma_start3A_581, %dma_start3A_582] : memref<2000000x64xf32, #tpu.memory_space<hbm>> -> memref<2000000x64xf32, #tpu.memory_space<hbm>>
        %dma_start3A_584 = tpu.memref_slice %arg7[%dma_start3A_573] : memref<8x!tpu.dma_semaphore, #tpu.memory_space<semaphore_mem>> -> memref<1x!tpu.dma_semaphore, #tpu.memory_space<semaphore_mem>>
        %dma_start3A_585 = tpu.memref_squeeze %dma_start3A_584 : memref<1x!tpu.dma_semaphore, #tpu.memory_space<semaphore_mem>> -> memref<!tpu.dma_semaphore, #tpu.memory_space<semaphore_mem>>
        tpu.enqueue_indirect_dma source(%dma_start3A_583 : memref<2000000x64xf32, #tpu.memory_space<hbm>>) target(%dma_start3A_577 : memref<128x64xf32, #tpu.memory_space<vmem>>) offsets(%dma_start3A_580 : memref<128xi32, #tpu.memory_space<vmem>>) semaphore(%dma_start3A_585 : memref<!tpu.dma_semaphore, #tpu.memory_space<semaphore_mem>>)
      } else {
      }
      %dma_wait3A_399 = arith.constant 0 : i32
      %dma_wait3A_400 = arith.constant 4 : i32
      %dma_wait3A_401 = arith.constant 4 : i32
      %dma_wait3A_402 = arith.constant 0 : i32
      %dma_wait3A_403 = arith.constant 0 : i32
      %dma_wait3A_404 = tpu.memref_slice %arg6[%dma_wait3A_400, %dma_wait3A_402, %dma_wait3A_403] : memref<8x128x64xf32, #tpu.memory_space<vmem>> -> memref<1x128x64xf32, #tpu.memory_space<vmem>>
      %dma_wait3A_405 = tpu.memref_squeeze %dma_wait3A_404 : memref<1x128x64xf32, #tpu.memory_space<vmem>> -> memref<128x64xf32, #tpu.memory_space<vmem>>
      %dma_wait3A_406 = arith.constant 0 : i32
      %dma_wait3A_407 = tpu.memref_slice %arg5[%dma_wait3A_399, %dma_wait3A_406] : memref<200x128xi32, #tpu.memory_space<vmem>> -> memref<1x128xi32, #tpu.memory_space<vmem>>
      %dma_wait3A_408 = tpu.memref_squeeze %dma_wait3A_407 : memref<1x128xi32, #tpu.memory_space<vmem>> -> memref<128xi32, #tpu.memory_space<vmem>>
      %dma_wait3A_409 = arith.constant 0 : i32
      %dma_wait3A_410 = arith.constant 0 : i32
      %dma_wait3A_411 = tpu.memref_slice %arg3[%dma_wait3A_409, %dma_wait3A_410] : memref<2000000x64xf32, #tpu.memory_space<hbm>> -> memref<2000000x64xf32, #tpu.memory_space<hbm>>
      %dma_wait3A_412 = tpu.memref_slice %arg7[%dma_wait3A_401] : memref<8x!tpu.dma_semaphore, #tpu.memory_space<semaphore_mem>> -> memref<1x!tpu.dma_semaphore, #tpu.memory_space<semaphore_mem>>
      %dma_wait3A_413 = tpu.memref_squeeze %dma_wait3A_412 : memref<1x!tpu.dma_semaphore, #tpu.memory_space<semaphore_mem>> -> memref<!tpu.dma_semaphore, #tpu.memory_space<semaphore_mem>>
      tpu.wait_indirect_dma semaphore(%dma_wait3A_413 : memref<!tpu.dma_semaphore, #tpu.memory_space<semaphore_mem>>) src(%dma_wait3A_411 : memref<2000000x64xf32, #tpu.memory_space<hbm>>) dst(%dma_wait3A_405 : memref<128x64xf32, #tpu.memory_space<vmem>>)
      %add3A_414 = arith.addi %mul3A_2, %add3A_391 : i32
      %mul3A_415 = arith.constant 128 : i32
      %mul3A_416 = arith.muli %add3A_414, %mul3A_415 : i32
      %dma_start3A_417 = arith.constant 4 : i32
      %dma_start3A_418 = arith.constant 4 : i32
      %dma_start3A_419 = arith.constant 0 : i32
      %dma_start3A_420 = arith.constant 0 : i32
      %dma_start3A_421 = tpu.memref_slice %arg6[%dma_start3A_417, %dma_start3A_419, %dma_start3A_420] : memref<8x128x64xf32, #tpu.memory_space<vmem>> -> memref<1x128x64xf32, #tpu.memory_space<vmem>>
      %dma_start3A_422 = tpu.memref_squeeze %dma_start3A_421 : memref<1x128x64xf32, #tpu.memory_space<vmem>> -> memref<128x64xf32, #tpu.memory_space<vmem>>
      %dma_start3A_423 = arith.constant 0 : i32
      %dma_start3A_424 = tpu.memref_slice %arg4[%mul3A_416, %dma_start3A_423] : memref<819200x128xf32, #tpu.memory_space<hbm>> -> memref<128x64xf32, #tpu.memory_space<hbm>>
      %dma_start3A_425 = tpu.memref_slice %arg8[%dma_start3A_418] : memref<8x!tpu.dma_semaphore, #tpu.memory_space<semaphore_mem>> -> memref<1x!tpu.dma_semaphore, #tpu.memory_space<semaphore_mem>>
      %dma_start3A_426 = tpu.memref_squeeze %dma_start3A_425 : memref<1x!tpu.dma_semaphore, #tpu.memory_space<semaphore_mem>> -> memref<!tpu.dma_semaphore, #tpu.memory_space<semaphore_mem>>
      %dma_start3A_427 = arith.constant 0 : i32
      %dma_start3A_428 = tpu.memref_slice %arg4[%mul3A_416, %dma_start3A_427] : memref<819200x128xf32, #tpu.memory_space<hbm>> -> memref<128x64xf32, #tpu.memory_space<hbm>>
      %dma_start3A_429 = arith.constant 0 : i32
      %dma_start3A_430 = arith.constant 0 : i32
      %dma_start3A_431 = tpu.memref_slice %arg6[%dma_start3A_417, %dma_start3A_429, %dma_start3A_430] : memref<8x128x64xf32, #tpu.memory_space<vmem>> -> memref<1x128x64xf32, #tpu.memory_space<vmem>>
      %dma_start3A_432 = tpu.memref_squeeze %dma_start3A_431 : memref<1x128x64xf32, #tpu.memory_space<vmem>> -> memref<128x64xf32, #tpu.memory_space<vmem>>
      tpu.enqueue_dma source(%dma_start3A_432 : memref<128x64xf32, #tpu.memory_space<vmem>>) target(%dma_start3A_428 : memref<128x64xf32, #tpu.memory_space<hbm>>) target_semaphore(%dma_start3A_426 : memref<!tpu.dma_semaphore, #tpu.memory_space<semaphore_mem>>)
      %mul3A_433 = arith.constant 8 : i32
      %mul3A_434 = arith.muli %scan3A_210, %mul3A_433 : i32
      %add3A_435 = arith.constant 5 : i32
      %add3A_436 = arith.addi %mul3A_434, %add3A_435 : i32
      %add3A_437 = arith.constant 4 : i32
      %add3A_438 = arith.addi %add3A_436, %add3A_437 : i32
      %lt3A_439 = arith.constant 200 : i32
      %lt3A_440 = arith.cmpi slt, %add3A_438, %lt3A_439 : i32
      %convert_element_type3A_441 = arith.extui %lt3A_440 : i1 to i32
      %cond3A_442 = arith.constant 0 : i32
      %cond3A_443 = arith.cmpi ne, %convert_element_type3A_441, %cond3A_442 : i32
      scf.if %cond3A_443 {
        %ge3A = arith.constant 8 : i32
        %ge3A_568 = arith.cmpi sge, %add3A_438, %ge3A : i32
        %convert_element_type3A_569 = arith.extui %ge3A_568 : i1 to i32
        %cond3A_570 = arith.constant 0 : i32
        %cond3A_571 = arith.cmpi ne, %convert_element_type3A_569, %cond3A_570 : i32
        scf.if %cond3A_571 {
          %dma_wait3A_586 = arith.constant 1 : i32
          %dma_wait3A_587 = arith.constant 1 : i32
          %dma_wait3A_588 = arith.constant 0 : i32
          %dma_wait3A_589 = arith.constant 0 : i32
          %dma_wait3A_590 = tpu.memref_slice %arg6[%dma_wait3A_586, %dma_wait3A_588, %dma_wait3A_589] : memref<8x128x64xf32, #tpu.memory_space<vmem>> -> memref<1x128x64xf32, #tpu.memory_space<vmem>>
          %dma_wait3A_591 = tpu.memref_squeeze %dma_wait3A_590 : memref<1x128x64xf32, #tpu.memory_space<vmem>> -> memref<128x64xf32, #tpu.memory_space<vmem>>
          %dma_wait3A_592 = arith.constant 0 : i32
          %dma_wait3A_593 = arith.constant 0 : i32
          %dma_wait3A_594 = tpu.memref_slice %arg4[%dma_wait3A_592, %dma_wait3A_593] : memref<819200x128xf32, #tpu.memory_space<hbm>> -> memref<128x64xf32, #tpu.memory_space<hbm>>
          %dma_wait3A_595 = tpu.memref_slice %arg8[%dma_wait3A_587] : memref<8x!tpu.dma_semaphore, #tpu.memory_space<semaphore_mem>> -> memref<1x!tpu.dma_semaphore, #tpu.memory_space<semaphore_mem>>
          %dma_wait3A_596 = tpu.memref_squeeze %dma_wait3A_595 : memref<1x!tpu.dma_semaphore, #tpu.memory_space<semaphore_mem>> -> memref<!tpu.dma_semaphore, #tpu.memory_space<semaphore_mem>>
          %dma_wait3A_597 = arith.constant 0 : i32
          %dma_wait3A_598 = arith.constant 0 : i32
          %dma_wait3A_599 = tpu.memref_slice %arg4[%dma_wait3A_597, %dma_wait3A_598] : memref<819200x128xf32, #tpu.memory_space<hbm>> -> memref<128x64xf32, #tpu.memory_space<hbm>>
          %dma_wait3A_600 = arith.constant 0 : i32
          %dma_wait3A_601 = arith.constant 0 : i32
          %dma_wait3A_602 = tpu.memref_slice %arg6[%dma_wait3A_586, %dma_wait3A_600, %dma_wait3A_601] : memref<8x128x64xf32, #tpu.memory_space<vmem>> -> memref<1x128x64xf32, #tpu.memory_space<vmem>>
          %dma_wait3A_603 = tpu.memref_squeeze %dma_wait3A_602 : memref<1x128x64xf32, #tpu.memory_space<vmem>> -> memref<128x64xf32, #tpu.memory_space<vmem>>
          tpu.wait_dma2 semaphore(%dma_wait3A_596 : memref<!tpu.dma_semaphore, #tpu.memory_space<semaphore_mem>>) src(%dma_wait3A_603 : memref<128x64xf32, #tpu.memory_space<vmem>>) dst(%dma_wait3A_599 : memref<128x64xf32, #tpu.memory_space<hbm>>)
        } else {
        }
        %dma_start3A_572 = arith.constant 1 : i32
        %dma_start3A_573 = arith.constant 1 : i32
        %dma_start3A_574 = arith.constant 0 : i32
        %dma_start3A_575 = arith.constant 0 : i32
        %dma_start3A_576 = tpu.memref_slice %arg6[%dma_start3A_572, %dma_start3A_574, %dma_start3A_575] : memref<8x128x64xf32, #tpu.memory_space<vmem>> -> memref<1x128x64xf32, #tpu.memory_space<vmem>>
        %dma_start3A_577 = tpu.memref_squeeze %dma_start3A_576 : memref<1x128x64xf32, #tpu.memory_space<vmem>> -> memref<128x64xf32, #tpu.memory_space<vmem>>
        %dma_start3A_578 = arith.constant 0 : i32
        %dma_start3A_579 = tpu.memref_slice %arg5[%add3A_438, %dma_start3A_578] : memref<200x128xi32, #tpu.memory_space<vmem>> -> memref<1x128xi32, #tpu.memory_space<vmem>>
        %dma_start3A_580 = tpu.memref_squeeze %dma_start3A_579 : memref<1x128xi32, #tpu.memory_space<vmem>> -> memref<128xi32, #tpu.memory_space<vmem>>
        %dma_start3A_581 = arith.constant 0 : i32
        %dma_start3A_582 = arith.constant 0 : i32
        %dma_start3A_583 = tpu.memref_slice %arg3[%dma_start3A_581, %dma_start3A_582] : memref<2000000x64xf32, #tpu.memory_space<hbm>> -> memref<2000000x64xf32, #tpu.memory_space<hbm>>
        %dma_start3A_584 = tpu.memref_slice %arg7[%dma_start3A_573] : memref<8x!tpu.dma_semaphore, #tpu.memory_space<semaphore_mem>> -> memref<1x!tpu.dma_semaphore, #tpu.memory_space<semaphore_mem>>
        %dma_start3A_585 = tpu.memref_squeeze %dma_start3A_584 : memref<1x!tpu.dma_semaphore, #tpu.memory_space<semaphore_mem>> -> memref<!tpu.dma_semaphore, #tpu.memory_space<semaphore_mem>>
        tpu.enqueue_indirect_dma source(%dma_start3A_583 : memref<2000000x64xf32, #tpu.memory_space<hbm>>) target(%dma_start3A_577 : memref<128x64xf32, #tpu.memory_space<vmem>>) offsets(%dma_start3A_580 : memref<128xi32, #tpu.memory_space<vmem>>) semaphore(%dma_start3A_585 : memref<!tpu.dma_semaphore, #tpu.memory_space<semaphore_mem>>)
      } else {
      }
      %dma_wait3A_444 = arith.constant 0 : i32
      %dma_wait3A_445 = arith.constant 5 : i32
      %dma_wait3A_446 = arith.constant 5 : i32
      %dma_wait3A_447 = arith.constant 0 : i32
      %dma_wait3A_448 = arith.constant 0 : i32
      %dma_wait3A_449 = tpu.memref_slice %arg6[%dma_wait3A_445, %dma_wait3A_447, %dma_wait3A_448] : memref<8x128x64xf32, #tpu.memory_space<vmem>> -> memref<1x128x64xf32, #tpu.memory_space<vmem>>
      %dma_wait3A_450 = tpu.memref_squeeze %dma_wait3A_449 : memref<1x128x64xf32, #tpu.memory_space<vmem>> -> memref<128x64xf32, #tpu.memory_space<vmem>>
      %dma_wait3A_451 = arith.constant 0 : i32
      %dma_wait3A_452 = tpu.memref_slice %arg5[%dma_wait3A_444, %dma_wait3A_451] : memref<200x128xi32, #tpu.memory_space<vmem>> -> memref<1x128xi32, #tpu.memory_space<vmem>>
      %dma_wait3A_453 = tpu.memref_squeeze %dma_wait3A_452 : memref<1x128xi32, #tpu.memory_space<vmem>> -> memref<128xi32, #tpu.memory_space<vmem>>
      %dma_wait3A_454 = arith.constant 0 : i32
      %dma_wait3A_455 = arith.constant 0 : i32
      %dma_wait3A_456 = tpu.memref_slice %arg3[%dma_wait3A_454, %dma_wait3A_455] : memref<2000000x64xf32, #tpu.memory_space<hbm>> -> memref<2000000x64xf32, #tpu.memory_space<hbm>>
      %dma_wait3A_457 = tpu.memref_slice %arg7[%dma_wait3A_446] : memref<8x!tpu.dma_semaphore, #tpu.memory_space<semaphore_mem>> -> memref<1x!tpu.dma_semaphore, #tpu.memory_space<semaphore_mem>>
      %dma_wait3A_458 = tpu.memref_squeeze %dma_wait3A_457 : memref<1x!tpu.dma_semaphore, #tpu.memory_space<semaphore_mem>> -> memref<!tpu.dma_semaphore, #tpu.memory_space<semaphore_mem>>
      tpu.wait_indirect_dma semaphore(%dma_wait3A_458 : memref<!tpu.dma_semaphore, #tpu.memory_space<semaphore_mem>>) src(%dma_wait3A_456 : memref<2000000x64xf32, #tpu.memory_space<hbm>>) dst(%dma_wait3A_450 : memref<128x64xf32, #tpu.memory_space<vmem>>)
      %add3A_459 = arith.addi %mul3A_2, %add3A_436 : i32
      %mul3A_460 = arith.constant 128 : i32
      %mul3A_461 = arith.muli %add3A_459, %mul3A_460 : i32
      %dma_start3A_462 = arith.constant 5 : i32
      %dma_start3A_463 = arith.constant 5 : i32
      %dma_start3A_464 = arith.constant 0 : i32
      %dma_start3A_465 = arith.constant 0 : i32
      %dma_start3A_466 = tpu.memref_slice %arg6[%dma_start3A_462, %dma_start3A_464, %dma_start3A_465] : memref<8x128x64xf32, #tpu.memory_space<vmem>> -> memref<1x128x64xf32, #tpu.memory_space<vmem>>
      %dma_start3A_467 = tpu.memref_squeeze %dma_start3A_466 : memref<1x128x64xf32, #tpu.memory_space<vmem>> -> memref<128x64xf32, #tpu.memory_space<vmem>>
      %dma_start3A_468 = arith.constant 0 : i32
      %dma_start3A_469 = tpu.memref_slice %arg4[%mul3A_461, %dma_start3A_468] : memref<819200x128xf32, #tpu.memory_space<hbm>> -> memref<128x64xf32, #tpu.memory_space<hbm>>
      %dma_start3A_470 = tpu.memref_slice %arg8[%dma_start3A_463] : memref<8x!tpu.dma_semaphore, #tpu.memory_space<semaphore_mem>> -> memref<1x!tpu.dma_semaphore, #tpu.memory_space<semaphore_mem>>
      %dma_start3A_471 = tpu.memref_squeeze %dma_start3A_470 : memref<1x!tpu.dma_semaphore, #tpu.memory_space<semaphore_mem>> -> memref<!tpu.dma_semaphore, #tpu.memory_space<semaphore_mem>>
      %dma_start3A_472 = arith.constant 0 : i32
      %dma_start3A_473 = tpu.memref_slice %arg4[%mul3A_461, %dma_start3A_472] : memref<819200x128xf32, #tpu.memory_space<hbm>> -> memref<128x64xf32, #tpu.memory_space<hbm>>
      %dma_start3A_474 = arith.constant 0 : i32
      %dma_start3A_475 = arith.constant 0 : i32
      %dma_start3A_476 = tpu.memref_slice %arg6[%dma_start3A_462, %dma_start3A_474, %dma_start3A_475] : memref<8x128x64xf32, #tpu.memory_space<vmem>> -> memref<1x128x64xf32, #tpu.memory_space<vmem>>
      %dma_start3A_477 = tpu.memref_squeeze %dma_start3A_476 : memref<1x128x64xf32, #tpu.memory_space<vmem>> -> memref<128x64xf32, #tpu.memory_space<vmem>>
      tpu.enqueue_dma source(%dma_start3A_477 : memref<128x64xf32, #tpu.memory_space<vmem>>) target(%dma_start3A_473 : memref<128x64xf32, #tpu.memory_space<hbm>>) target_semaphore(%dma_start3A_471 : memref<!tpu.dma_semaphore, #tpu.memory_space<semaphore_mem>>)
      %mul3A_478 = arith.constant 8 : i32
      %mul3A_479 = arith.muli %scan3A_210, %mul3A_478 : i32
      %add3A_480 = arith.constant 6 : i32
      %add3A_481 = arith.addi %mul3A_479, %add3A_480 : i32
      %add3A_482 = arith.constant 4 : i32
      %add3A_483 = arith.addi %add3A_481, %add3A_482 : i32
      %lt3A_484 = arith.constant 200 : i32
      %lt3A_485 = arith.cmpi slt, %add3A_483, %lt3A_484 : i32
      %convert_element_type3A_486 = arith.extui %lt3A_485 : i1 to i32
      %cond3A_487 = arith.constant 0 : i32
      %cond3A_488 = arith.cmpi ne, %convert_element_type3A_486, %cond3A_487 : i32
      scf.if %cond3A_488 {
        %ge3A = arith.constant 8 : i32
        %ge3A_568 = arith.cmpi sge, %add3A_483, %ge3A : i32
        %convert_element_type3A_569 = arith.extui %ge3A_568 : i1 to i32
        %cond3A_570 = arith.constant 0 : i32
        %cond3A_571 = arith.cmpi ne, %convert_element_type3A_569, %cond3A_570 : i32
        scf.if %cond3A_571 {
          %dma_wait3A_586 = arith.constant 2 : i32
          %dma_wait3A_587 = arith.constant 2 : i32
          %dma_wait3A_588 = arith.constant 0 : i32
          %dma_wait3A_589 = arith.constant 0 : i32
          %dma_wait3A_590 = tpu.memref_slice %arg6[%dma_wait3A_586, %dma_wait3A_588, %dma_wait3A_589] : memref<8x128x64xf32, #tpu.memory_space<vmem>> -> memref<1x128x64xf32, #tpu.memory_space<vmem>>
          %dma_wait3A_591 = tpu.memref_squeeze %dma_wait3A_590 : memref<1x128x64xf32, #tpu.memory_space<vmem>> -> memref<128x64xf32, #tpu.memory_space<vmem>>
          %dma_wait3A_592 = arith.constant 0 : i32
          %dma_wait3A_593 = arith.constant 0 : i32
          %dma_wait3A_594 = tpu.memref_slice %arg4[%dma_wait3A_592, %dma_wait3A_593] : memref<819200x128xf32, #tpu.memory_space<hbm>> -> memref<128x64xf32, #tpu.memory_space<hbm>>
          %dma_wait3A_595 = tpu.memref_slice %arg8[%dma_wait3A_587] : memref<8x!tpu.dma_semaphore, #tpu.memory_space<semaphore_mem>> -> memref<1x!tpu.dma_semaphore, #tpu.memory_space<semaphore_mem>>
          %dma_wait3A_596 = tpu.memref_squeeze %dma_wait3A_595 : memref<1x!tpu.dma_semaphore, #tpu.memory_space<semaphore_mem>> -> memref<!tpu.dma_semaphore, #tpu.memory_space<semaphore_mem>>
          %dma_wait3A_597 = arith.constant 0 : i32
          %dma_wait3A_598 = arith.constant 0 : i32
          %dma_wait3A_599 = tpu.memref_slice %arg4[%dma_wait3A_597, %dma_wait3A_598] : memref<819200x128xf32, #tpu.memory_space<hbm>> -> memref<128x64xf32, #tpu.memory_space<hbm>>
          %dma_wait3A_600 = arith.constant 0 : i32
          %dma_wait3A_601 = arith.constant 0 : i32
          %dma_wait3A_602 = tpu.memref_slice %arg6[%dma_wait3A_586, %dma_wait3A_600, %dma_wait3A_601] : memref<8x128x64xf32, #tpu.memory_space<vmem>> -> memref<1x128x64xf32, #tpu.memory_space<vmem>>
          %dma_wait3A_603 = tpu.memref_squeeze %dma_wait3A_602 : memref<1x128x64xf32, #tpu.memory_space<vmem>> -> memref<128x64xf32, #tpu.memory_space<vmem>>
          tpu.wait_dma2 semaphore(%dma_wait3A_596 : memref<!tpu.dma_semaphore, #tpu.memory_space<semaphore_mem>>) src(%dma_wait3A_603 : memref<128x64xf32, #tpu.memory_space<vmem>>) dst(%dma_wait3A_599 : memref<128x64xf32, #tpu.memory_space<hbm>>)
        } else {
        }
        %dma_start3A_572 = arith.constant 2 : i32
        %dma_start3A_573 = arith.constant 2 : i32
        %dma_start3A_574 = arith.constant 0 : i32
        %dma_start3A_575 = arith.constant 0 : i32
        %dma_start3A_576 = tpu.memref_slice %arg6[%dma_start3A_572, %dma_start3A_574, %dma_start3A_575] : memref<8x128x64xf32, #tpu.memory_space<vmem>> -> memref<1x128x64xf32, #tpu.memory_space<vmem>>
        %dma_start3A_577 = tpu.memref_squeeze %dma_start3A_576 : memref<1x128x64xf32, #tpu.memory_space<vmem>> -> memref<128x64xf32, #tpu.memory_space<vmem>>
        %dma_start3A_578 = arith.constant 0 : i32
        %dma_start3A_579 = tpu.memref_slice %arg5[%add3A_483, %dma_start3A_578] : memref<200x128xi32, #tpu.memory_space<vmem>> -> memref<1x128xi32, #tpu.memory_space<vmem>>
        %dma_start3A_580 = tpu.memref_squeeze %dma_start3A_579 : memref<1x128xi32, #tpu.memory_space<vmem>> -> memref<128xi32, #tpu.memory_space<vmem>>
        %dma_start3A_581 = arith.constant 0 : i32
        %dma_start3A_582 = arith.constant 0 : i32
        %dma_start3A_583 = tpu.memref_slice %arg3[%dma_start3A_581, %dma_start3A_582] : memref<2000000x64xf32, #tpu.memory_space<hbm>> -> memref<2000000x64xf32, #tpu.memory_space<hbm>>
        %dma_start3A_584 = tpu.memref_slice %arg7[%dma_start3A_573] : memref<8x!tpu.dma_semaphore, #tpu.memory_space<semaphore_mem>> -> memref<1x!tpu.dma_semaphore, #tpu.memory_space<semaphore_mem>>
        %dma_start3A_585 = tpu.memref_squeeze %dma_start3A_584 : memref<1x!tpu.dma_semaphore, #tpu.memory_space<semaphore_mem>> -> memref<!tpu.dma_semaphore, #tpu.memory_space<semaphore_mem>>
        tpu.enqueue_indirect_dma source(%dma_start3A_583 : memref<2000000x64xf32, #tpu.memory_space<hbm>>) target(%dma_start3A_577 : memref<128x64xf32, #tpu.memory_space<vmem>>) offsets(%dma_start3A_580 : memref<128xi32, #tpu.memory_space<vmem>>) semaphore(%dma_start3A_585 : memref<!tpu.dma_semaphore, #tpu.memory_space<semaphore_mem>>)
      } else {
      }
      %dma_wait3A_489 = arith.constant 0 : i32
      %dma_wait3A_490 = arith.constant 6 : i32
      %dma_wait3A_491 = arith.constant 6 : i32
      %dma_wait3A_492 = arith.constant 0 : i32
      %dma_wait3A_493 = arith.constant 0 : i32
      %dma_wait3A_494 = tpu.memref_slice %arg6[%dma_wait3A_490, %dma_wait3A_492, %dma_wait3A_493] : memref<8x128x64xf32, #tpu.memory_space<vmem>> -> memref<1x128x64xf32, #tpu.memory_space<vmem>>
      %dma_wait3A_495 = tpu.memref_squeeze %dma_wait3A_494 : memref<1x128x64xf32, #tpu.memory_space<vmem>> -> memref<128x64xf32, #tpu.memory_space<vmem>>
      %dma_wait3A_496 = arith.constant 0 : i32
      %dma_wait3A_497 = tpu.memref_slice %arg5[%dma_wait3A_489, %dma_wait3A_496] : memref<200x128xi32, #tpu.memory_space<vmem>> -> memref<1x128xi32, #tpu.memory_space<vmem>>
      %dma_wait3A_498 = tpu.memref_squeeze %dma_wait3A_497 : memref<1x128xi32, #tpu.memory_space<vmem>> -> memref<128xi32, #tpu.memory_space<vmem>>
      %dma_wait3A_499 = arith.constant 0 : i32
      %dma_wait3A_500 = arith.constant 0 : i32
      %dma_wait3A_501 = tpu.memref_slice %arg3[%dma_wait3A_499, %dma_wait3A_500] : memref<2000000x64xf32, #tpu.memory_space<hbm>> -> memref<2000000x64xf32, #tpu.memory_space<hbm>>
      %dma_wait3A_502 = tpu.memref_slice %arg7[%dma_wait3A_491] : memref<8x!tpu.dma_semaphore, #tpu.memory_space<semaphore_mem>> -> memref<1x!tpu.dma_semaphore, #tpu.memory_space<semaphore_mem>>
      %dma_wait3A_503 = tpu.memref_squeeze %dma_wait3A_502 : memref<1x!tpu.dma_semaphore, #tpu.memory_space<semaphore_mem>> -> memref<!tpu.dma_semaphore, #tpu.memory_space<semaphore_mem>>
      tpu.wait_indirect_dma semaphore(%dma_wait3A_503 : memref<!tpu.dma_semaphore, #tpu.memory_space<semaphore_mem>>) src(%dma_wait3A_501 : memref<2000000x64xf32, #tpu.memory_space<hbm>>) dst(%dma_wait3A_495 : memref<128x64xf32, #tpu.memory_space<vmem>>)
      %add3A_504 = arith.addi %mul3A_2, %add3A_481 : i32
      %mul3A_505 = arith.constant 128 : i32
      %mul3A_506 = arith.muli %add3A_504, %mul3A_505 : i32
      %dma_start3A_507 = arith.constant 6 : i32
      %dma_start3A_508 = arith.constant 6 : i32
      %dma_start3A_509 = arith.constant 0 : i32
      %dma_start3A_510 = arith.constant 0 : i32
      %dma_start3A_511 = tpu.memref_slice %arg6[%dma_start3A_507, %dma_start3A_509, %dma_start3A_510] : memref<8x128x64xf32, #tpu.memory_space<vmem>> -> memref<1x128x64xf32, #tpu.memory_space<vmem>>
      %dma_start3A_512 = tpu.memref_squeeze %dma_start3A_511 : memref<1x128x64xf32, #tpu.memory_space<vmem>> -> memref<128x64xf32, #tpu.memory_space<vmem>>
      %dma_start3A_513 = arith.constant 0 : i32
      %dma_start3A_514 = tpu.memref_slice %arg4[%mul3A_506, %dma_start3A_513] : memref<819200x128xf32, #tpu.memory_space<hbm>> -> memref<128x64xf32, #tpu.memory_space<hbm>>
      %dma_start3A_515 = tpu.memref_slice %arg8[%dma_start3A_508] : memref<8x!tpu.dma_semaphore, #tpu.memory_space<semaphore_mem>> -> memref<1x!tpu.dma_semaphore, #tpu.memory_space<semaphore_mem>>
      %dma_start3A_516 = tpu.memref_squeeze %dma_start3A_515 : memref<1x!tpu.dma_semaphore, #tpu.memory_space<semaphore_mem>> -> memref<!tpu.dma_semaphore, #tpu.memory_space<semaphore_mem>>
      %dma_start3A_517 = arith.constant 0 : i32
      %dma_start3A_518 = tpu.memref_slice %arg4[%mul3A_506, %dma_start3A_517] : memref<819200x128xf32, #tpu.memory_space<hbm>> -> memref<128x64xf32, #tpu.memory_space<hbm>>
      %dma_start3A_519 = arith.constant 0 : i32
      %dma_start3A_520 = arith.constant 0 : i32
      %dma_start3A_521 = tpu.memref_slice %arg6[%dma_start3A_507, %dma_start3A_519, %dma_start3A_520] : memref<8x128x64xf32, #tpu.memory_space<vmem>> -> memref<1x128x64xf32, #tpu.memory_space<vmem>>
      %dma_start3A_522 = tpu.memref_squeeze %dma_start3A_521 : memref<1x128x64xf32, #tpu.memory_space<vmem>> -> memref<128x64xf32, #tpu.memory_space<vmem>>
      tpu.enqueue_dma source(%dma_start3A_522 : memref<128x64xf32, #tpu.memory_space<vmem>>) target(%dma_start3A_518 : memref<128x64xf32, #tpu.memory_space<hbm>>) target_semaphore(%dma_start3A_516 : memref<!tpu.dma_semaphore, #tpu.memory_space<semaphore_mem>>)
      %mul3A_523 = arith.constant 8 : i32
      %mul3A_524 = arith.muli %scan3A_210, %mul3A_523 : i32
      %add3A_525 = arith.constant 7 : i32
      %add3A_526 = arith.addi %mul3A_524, %add3A_525 : i32
      %add3A_527 = arith.constant 4 : i32
      %add3A_528 = arith.addi %add3A_526, %add3A_527 : i32
      %lt3A_529 = arith.constant 200 : i32
      %lt3A_530 = arith.cmpi slt, %add3A_528, %lt3A_529 : i32
      %convert_element_type3A_531 = arith.extui %lt3A_530 : i1 to i32
      %cond3A_532 = arith.constant 0 : i32
      %cond3A_533 = arith.cmpi ne, %convert_element_type3A_531, %cond3A_532 : i32
      scf.if %cond3A_533 {
        %ge3A = arith.constant 8 : i32
        %ge3A_568 = arith.cmpi sge, %add3A_528, %ge3A : i32
        %convert_element_type3A_569 = arith.extui %ge3A_568 : i1 to i32
        %cond3A_570 = arith.constant 0 : i32
        %cond3A_571 = arith.cmpi ne, %convert_element_type3A_569, %cond3A_570 : i32
        scf.if %cond3A_571 {
          %dma_wait3A_586 = arith.constant 3 : i32
          %dma_wait3A_587 = arith.constant 3 : i32
          %dma_wait3A_588 = arith.constant 0 : i32
          %dma_wait3A_589 = arith.constant 0 : i32
          %dma_wait3A_590 = tpu.memref_slice %arg6[%dma_wait3A_586, %dma_wait3A_588, %dma_wait3A_589] : memref<8x128x64xf32, #tpu.memory_space<vmem>> -> memref<1x128x64xf32, #tpu.memory_space<vmem>>
          %dma_wait3A_591 = tpu.memref_squeeze %dma_wait3A_590 : memref<1x128x64xf32, #tpu.memory_space<vmem>> -> memref<128x64xf32, #tpu.memory_space<vmem>>
          %dma_wait3A_592 = arith.constant 0 : i32
          %dma_wait3A_593 = arith.constant 0 : i32
          %dma_wait3A_594 = tpu.memref_slice %arg4[%dma_wait3A_592, %dma_wait3A_593] : memref<819200x128xf32, #tpu.memory_space<hbm>> -> memref<128x64xf32, #tpu.memory_space<hbm>>
          %dma_wait3A_595 = tpu.memref_slice %arg8[%dma_wait3A_587] : memref<8x!tpu.dma_semaphore, #tpu.memory_space<semaphore_mem>> -> memref<1x!tpu.dma_semaphore, #tpu.memory_space<semaphore_mem>>
          %dma_wait3A_596 = tpu.memref_squeeze %dma_wait3A_595 : memref<1x!tpu.dma_semaphore, #tpu.memory_space<semaphore_mem>> -> memref<!tpu.dma_semaphore, #tpu.memory_space<semaphore_mem>>
          %dma_wait3A_597 = arith.constant 0 : i32
          %dma_wait3A_598 = arith.constant 0 : i32
          %dma_wait3A_599 = tpu.memref_slice %arg4[%dma_wait3A_597, %dma_wait3A_598] : memref<819200x128xf32, #tpu.memory_space<hbm>> -> memref<128x64xf32, #tpu.memory_space<hbm>>
          %dma_wait3A_600 = arith.constant 0 : i32
          %dma_wait3A_601 = arith.constant 0 : i32
          %dma_wait3A_602 = tpu.memref_slice %arg6[%dma_wait3A_586, %dma_wait3A_600, %dma_wait3A_601] : memref<8x128x64xf32, #tpu.memory_space<vmem>> -> memref<1x128x64xf32, #tpu.memory_space<vmem>>
          %dma_wait3A_603 = tpu.memref_squeeze %dma_wait3A_602 : memref<1x128x64xf32, #tpu.memory_space<vmem>> -> memref<128x64xf32, #tpu.memory_space<vmem>>
          tpu.wait_dma2 semaphore(%dma_wait3A_596 : memref<!tpu.dma_semaphore, #tpu.memory_space<semaphore_mem>>) src(%dma_wait3A_603 : memref<128x64xf32, #tpu.memory_space<vmem>>) dst(%dma_wait3A_599 : memref<128x64xf32, #tpu.memory_space<hbm>>)
        } else {
        }
        %dma_start3A_572 = arith.constant 3 : i32
        %dma_start3A_573 = arith.constant 3 : i32
        %dma_start3A_574 = arith.constant 0 : i32
        %dma_start3A_575 = arith.constant 0 : i32
        %dma_start3A_576 = tpu.memref_slice %arg6[%dma_start3A_572, %dma_start3A_574, %dma_start3A_575] : memref<8x128x64xf32, #tpu.memory_space<vmem>> -> memref<1x128x64xf32, #tpu.memory_space<vmem>>
        %dma_start3A_577 = tpu.memref_squeeze %dma_start3A_576 : memref<1x128x64xf32, #tpu.memory_space<vmem>> -> memref<128x64xf32, #tpu.memory_space<vmem>>
        %dma_start3A_578 = arith.constant 0 : i32
        %dma_start3A_579 = tpu.memref_slice %arg5[%add3A_528, %dma_start3A_578] : memref<200x128xi32, #tpu.memory_space<vmem>> -> memref<1x128xi32, #tpu.memory_space<vmem>>
        %dma_start3A_580 = tpu.memref_squeeze %dma_start3A_579 : memref<1x128xi32, #tpu.memory_space<vmem>> -> memref<128xi32, #tpu.memory_space<vmem>>
        %dma_start3A_581 = arith.constant 0 : i32
        %dma_start3A_582 = arith.constant 0 : i32
        %dma_start3A_583 = tpu.memref_slice %arg3[%dma_start3A_581, %dma_start3A_582] : memref<2000000x64xf32, #tpu.memory_space<hbm>> -> memref<2000000x64xf32, #tpu.memory_space<hbm>>
        %dma_start3A_584 = tpu.memref_slice %arg7[%dma_start3A_573] : memref<8x!tpu.dma_semaphore, #tpu.memory_space<semaphore_mem>> -> memref<1x!tpu.dma_semaphore, #tpu.memory_space<semaphore_mem>>
        %dma_start3A_585 = tpu.memref_squeeze %dma_start3A_584 : memref<1x!tpu.dma_semaphore, #tpu.memory_space<semaphore_mem>> -> memref<!tpu.dma_semaphore, #tpu.memory_space<semaphore_mem>>
        tpu.enqueue_indirect_dma source(%dma_start3A_583 : memref<2000000x64xf32, #tpu.memory_space<hbm>>) target(%dma_start3A_577 : memref<128x64xf32, #tpu.memory_space<vmem>>) offsets(%dma_start3A_580 : memref<128xi32, #tpu.memory_space<vmem>>) semaphore(%dma_start3A_585 : memref<!tpu.dma_semaphore, #tpu.memory_space<semaphore_mem>>)
      } else {
      }
      %dma_wait3A_534 = arith.constant 0 : i32
      %dma_wait3A_535 = arith.constant 7 : i32
      %dma_wait3A_536 = arith.constant 7 : i32
      %dma_wait3A_537 = arith.constant 0 : i32
      %dma_wait3A_538 = arith.constant 0 : i32
      %dma_wait3A_539 = tpu.memref_slice %arg6[%dma_wait3A_535, %dma_wait3A_537, %dma_wait3A_538] : memref<8x128x64xf32, #tpu.memory_space<vmem>> -> memref<1x128x64xf32, #tpu.memory_space<vmem>>
      %dma_wait3A_540 = tpu.memref_squeeze %dma_wait3A_539 : memref<1x128x64xf32, #tpu.memory_space<vmem>> -> memref<128x64xf32, #tpu.memory_space<vmem>>
      %dma_wait3A_541 = arith.constant 0 : i32
      %dma_wait3A_542 = tpu.memref_slice %arg5[%dma_wait3A_534, %dma_wait3A_541] : memref<200x128xi32, #tpu.memory_space<vmem>> -> memref<1x128xi32, #tpu.memory_space<vmem>>
      %dma_wait3A_543 = tpu.memref_squeeze %dma_wait3A_542 : memref<1x128xi32, #tpu.memory_space<vmem>> -> memref<128xi32, #tpu.memory_space<vmem>>
      %dma_wait3A_544 = arith.constant 0 : i32
      %dma_wait3A_545 = arith.constant 0 : i32
      %dma_wait3A_546 = tpu.memref_slice %arg3[%dma_wait3A_544, %dma_wait3A_545] : memref<2000000x64xf32, #tpu.memory_space<hbm>> -> memref<2000000x64xf32, #tpu.memory_space<hbm>>
      %dma_wait3A_547 = tpu.memref_slice %arg7[%dma_wait3A_536] : memref<8x!tpu.dma_semaphore, #tpu.memory_space<semaphore_mem>> -> memref<1x!tpu.dma_semaphore, #tpu.memory_space<semaphore_mem>>
      %dma_wait3A_548 = tpu.memref_squeeze %dma_wait3A_547 : memref<1x!tpu.dma_semaphore, #tpu.memory_space<semaphore_mem>> -> memref<!tpu.dma_semaphore, #tpu.memory_space<semaphore_mem>>
      tpu.wait_indirect_dma semaphore(%dma_wait3A_548 : memref<!tpu.dma_semaphore, #tpu.memory_space<semaphore_mem>>) src(%dma_wait3A_546 : memref<2000000x64xf32, #tpu.memory_space<hbm>>) dst(%dma_wait3A_540 : memref<128x64xf32, #tpu.memory_space<vmem>>)
      %add3A_549 = arith.addi %mul3A_2, %add3A_526 : i32
      %mul3A_550 = arith.constant 128 : i32
      %mul3A_551 = arith.muli %add3A_549, %mul3A_550 : i32
      %dma_start3A_552 = arith.constant 7 : i32
      %dma_start3A_553 = arith.constant 7 : i32
      %dma_start3A_554 = arith.constant 0 : i32
      %dma_start3A_555 = arith.constant 0 : i32
      %dma_start3A_556 = tpu.memref_slice %arg6[%dma_start3A_552, %dma_start3A_554, %dma_start3A_555] : memref<8x128x64xf32, #tpu.memory_space<vmem>> -> memref<1x128x64xf32, #tpu.memory_space<vmem>>
      %dma_start3A_557 = tpu.memref_squeeze %dma_start3A_556 : memref<1x128x64xf32, #tpu.memory_space<vmem>> -> memref<128x64xf32, #tpu.memory_space<vmem>>
      %dma_start3A_558 = arith.constant 0 : i32
      %dma_start3A_559 = tpu.memref_slice %arg4[%mul3A_551, %dma_start3A_558] : memref<819200x128xf32, #tpu.memory_space<hbm>> -> memref<128x64xf32, #tpu.memory_space<hbm>>
      %dma_start3A_560 = tpu.memref_slice %arg8[%dma_start3A_553] : memref<8x!tpu.dma_semaphore, #tpu.memory_space<semaphore_mem>> -> memref<1x!tpu.dma_semaphore, #tpu.memory_space<semaphore_mem>>
      %dma_start3A_561 = tpu.memref_squeeze %dma_start3A_560 : memref<1x!tpu.dma_semaphore, #tpu.memory_space<semaphore_mem>> -> memref<!tpu.dma_semaphore, #tpu.memory_space<semaphore_mem>>
      %dma_start3A_562 = arith.constant 0 : i32
      %dma_start3A_563 = tpu.memref_slice %arg4[%mul3A_551, %dma_start3A_562] : memref<819200x128xf32, #tpu.memory_space<hbm>> -> memref<128x64xf32, #tpu.memory_space<hbm>>
      %dma_start3A_564 = arith.constant 0 : i32
      %dma_start3A_565 = arith.constant 0 : i32
      %dma_start3A_566 = tpu.memref_slice %arg6[%dma_start3A_552, %dma_start3A_564, %dma_start3A_565] : memref<8x128x64xf32, #tpu.memory_space<vmem>> -> memref<1x128x64xf32, #tpu.memory_space<vmem>>
      %dma_start3A_567 = tpu.memref_squeeze %dma_start3A_566 : memref<1x128x64xf32, #tpu.memory_space<vmem>> -> memref<128x64xf32, #tpu.memory_space<vmem>>
      tpu.enqueue_dma source(%dma_start3A_567 : memref<128x64xf32, #tpu.memory_space<vmem>>) target(%dma_start3A_563 : memref<128x64xf32, #tpu.memory_space<hbm>>) target_semaphore(%dma_start3A_561 : memref<!tpu.dma_semaphore, #tpu.memory_space<semaphore_mem>>)
    }
    %scan3A_66 = arith.constant 25 : i32
    %dma_wait3A = arith.constant 0 : i32
    %dma_wait3A_67 = arith.constant 0 : i32
    %dma_wait3A_68 = arith.constant 0 : i32
    %dma_wait3A_69 = arith.constant 0 : i32
    %dma_wait3A_70 = tpu.memref_slice %arg6[%dma_wait3A, %dma_wait3A_68, %dma_wait3A_69] : memref<8x128x64xf32, #tpu.memory_space<vmem>> -> memref<1x128x64xf32, #tpu.memory_space<vmem>>
    %dma_wait3A_71 = tpu.memref_squeeze %dma_wait3A_70 : memref<1x128x64xf32, #tpu.memory_space<vmem>> -> memref<128x64xf32, #tpu.memory_space<vmem>>
    %dma_wait3A_72 = arith.constant 0 : i32
    %dma_wait3A_73 = arith.constant 0 : i32
    %dma_wait3A_74 = tpu.memref_slice %arg4[%dma_wait3A_72, %dma_wait3A_73] : memref<819200x128xf32, #tpu.memory_space<hbm>> -> memref<128x64xf32, #tpu.memory_space<hbm>>
    %dma_wait3A_75 = tpu.memref_slice %arg8[%dma_wait3A_67] : memref<8x!tpu.dma_semaphore, #tpu.memory_space<semaphore_mem>> -> memref<1x!tpu.dma_semaphore, #tpu.memory_space<semaphore_mem>>
    %dma_wait3A_76 = tpu.memref_squeeze %dma_wait3A_75 : memref<1x!tpu.dma_semaphore, #tpu.memory_space<semaphore_mem>> -> memref<!tpu.dma_semaphore, #tpu.memory_space<semaphore_mem>>
    %dma_wait3A_77 = arith.constant 0 : i32
    %dma_wait3A_78 = arith.constant 0 : i32
    %dma_wait3A_79 = tpu.memref_slice %arg4[%dma_wait3A_77, %dma_wait3A_78] : memref<819200x128xf32, #tpu.memory_space<hbm>> -> memref<128x64xf32, #tpu.memory_space<hbm>>
    %dma_wait3A_80 = arith.constant 0 : i32
    %dma_wait3A_81 = arith.constant 0 : i32
    %dma_wait3A_82 = tpu.memref_slice %arg6[%dma_wait3A, %dma_wait3A_80, %dma_wait3A_81] : memref<8x128x64xf32, #tpu.memory_space<vmem>> -> memref<1x128x64xf32, #tpu.memory_space<vmem>>
    %dma_wait3A_83 = tpu.memref_squeeze %dma_wait3A_82 : memref<1x128x64xf32, #tpu.memory_space<vmem>> -> memref<128x64xf32, #tpu.memory_space<vmem>>
    tpu.wait_dma2 semaphore(%dma_wait3A_76 : memref<!tpu.dma_semaphore, #tpu.memory_space<semaphore_mem>>) src(%dma_wait3A_83 : memref<128x64xf32, #tpu.memory_space<vmem>>) dst(%dma_wait3A_79 : memref<128x64xf32, #tpu.memory_space<hbm>>)
    %dma_wait3A_84 = arith.constant 1 : i32
    %dma_wait3A_85 = arith.constant 1 : i32
    %dma_wait3A_86 = arith.constant 0 : i32
    %dma_wait3A_87 = arith.constant 0 : i32
    %dma_wait3A_88 = tpu.memref_slice %arg6[%dma_wait3A_84, %dma_wait3A_86, %dma_wait3A_87] : memref<8x128x64xf32, #tpu.memory_space<vmem>> -> memref<1x128x64xf32, #tpu.memory_space<vmem>>
    %dma_wait3A_89 = tpu.memref_squeeze %dma_wait3A_88 : memref<1x128x64xf32, #tpu.memory_space<vmem>> -> memref<128x64xf32, #tpu.memory_space<vmem>>
    %dma_wait3A_90 = arith.constant 0 : i32
    %dma_wait3A_91 = arith.constant 0 : i32
    %dma_wait3A_92 = tpu.memref_slice %arg4[%dma_wait3A_90, %dma_wait3A_91] : memref<819200x128xf32, #tpu.memory_space<hbm>> -> memref<128x64xf32, #tpu.memory_space<hbm>>
    %dma_wait3A_93 = tpu.memref_slice %arg8[%dma_wait3A_85] : memref<8x!tpu.dma_semaphore, #tpu.memory_space<semaphore_mem>> -> memref<1x!tpu.dma_semaphore, #tpu.memory_space<semaphore_mem>>
    %dma_wait3A_94 = tpu.memref_squeeze %dma_wait3A_93 : memref<1x!tpu.dma_semaphore, #tpu.memory_space<semaphore_mem>> -> memref<!tpu.dma_semaphore, #tpu.memory_space<semaphore_mem>>
    %dma_wait3A_95 = arith.constant 0 : i32
    %dma_wait3A_96 = arith.constant 0 : i32
    %dma_wait3A_97 = tpu.memref_slice %arg4[%dma_wait3A_95, %dma_wait3A_96] : memref<819200x128xf32, #tpu.memory_space<hbm>> -> memref<128x64xf32, #tpu.memory_space<hbm>>
    %dma_wait3A_98 = arith.constant 0 : i32
    %dma_wait3A_99 = arith.constant 0 : i32
    %dma_wait3A_100 = tpu.memref_slice %arg6[%dma_wait3A_84, %dma_wait3A_98, %dma_wait3A_99] : memref<8x128x64xf32, #tpu.memory_space<vmem>> -> memref<1x128x64xf32, #tpu.memory_space<vmem>>
    %dma_wait3A_101 = tpu.memref_squeeze %dma_wait3A_100 : memref<1x128x64xf32, #tpu.memory_space<vmem>> -> memref<128x64xf32, #tpu.memory_space<vmem>>
    tpu.wait_dma2 semaphore(%dma_wait3A_94 : memref<!tpu.dma_semaphore, #tpu.memory_space<semaphore_mem>>) src(%dma_wait3A_101 : memref<128x64xf32, #tpu.memory_space<vmem>>) dst(%dma_wait3A_97 : memref<128x64xf32, #tpu.memory_space<hbm>>)
    %dma_wait3A_102 = arith.constant 2 : i32
    %dma_wait3A_103 = arith.constant 2 : i32
    %dma_wait3A_104 = arith.constant 0 : i32
    %dma_wait3A_105 = arith.constant 0 : i32
    %dma_wait3A_106 = tpu.memref_slice %arg6[%dma_wait3A_102, %dma_wait3A_104, %dma_wait3A_105] : memref<8x128x64xf32, #tpu.memory_space<vmem>> -> memref<1x128x64xf32, #tpu.memory_space<vmem>>
    %dma_wait3A_107 = tpu.memref_squeeze %dma_wait3A_106 : memref<1x128x64xf32, #tpu.memory_space<vmem>> -> memref<128x64xf32, #tpu.memory_space<vmem>>
    %dma_wait3A_108 = arith.constant 0 : i32
    %dma_wait3A_109 = arith.constant 0 : i32
    %dma_wait3A_110 = tpu.memref_slice %arg4[%dma_wait3A_108, %dma_wait3A_109] : memref<819200x128xf32, #tpu.memory_space<hbm>> -> memref<128x64xf32, #tpu.memory_space<hbm>>
    %dma_wait3A_111 = tpu.memref_slice %arg8[%dma_wait3A_103] : memref<8x!tpu.dma_semaphore, #tpu.memory_space<semaphore_mem>> -> memref<1x!tpu.dma_semaphore, #tpu.memory_space<semaphore_mem>>
    %dma_wait3A_112 = tpu.memref_squeeze %dma_wait3A_111 : memref<1x!tpu.dma_semaphore, #tpu.memory_space<semaphore_mem>> -> memref<!tpu.dma_semaphore, #tpu.memory_space<semaphore_mem>>
    %dma_wait3A_113 = arith.constant 0 : i32
    %dma_wait3A_114 = arith.constant 0 : i32
    %dma_wait3A_115 = tpu.memref_slice %arg4[%dma_wait3A_113, %dma_wait3A_114] : memref<819200x128xf32, #tpu.memory_space<hbm>> -> memref<128x64xf32, #tpu.memory_space<hbm>>
    %dma_wait3A_116 = arith.constant 0 : i32
    %dma_wait3A_117 = arith.constant 0 : i32
    %dma_wait3A_118 = tpu.memref_slice %arg6[%dma_wait3A_102, %dma_wait3A_116, %dma_wait3A_117] : memref<8x128x64xf32, #tpu.memory_space<vmem>> -> memref<1x128x64xf32, #tpu.memory_space<vmem>>
    %dma_wait3A_119 = tpu.memref_squeeze %dma_wait3A_118 : memref<1x128x64xf32, #tpu.memory_space<vmem>> -> memref<128x64xf32, #tpu.memory_space<vmem>>
    tpu.wait_dma2 semaphore(%dma_wait3A_112 : memref<!tpu.dma_semaphore, #tpu.memory_space<semaphore_mem>>) src(%dma_wait3A_119 : memref<128x64xf32, #tpu.memory_space<vmem>>) dst(%dma_wait3A_115 : memref<128x64xf32, #tpu.memory_space<hbm>>)
    %dma_wait3A_120 = arith.constant 3 : i32
    %dma_wait3A_121 = arith.constant 3 : i32
    %dma_wait3A_122 = arith.constant 0 : i32
    %dma_wait3A_123 = arith.constant 0 : i32
    %dma_wait3A_124 = tpu.memref_slice %arg6[%dma_wait3A_120, %dma_wait3A_122, %dma_wait3A_123] : memref<8x128x64xf32, #tpu.memory_space<vmem>> -> memref<1x128x64xf32, #tpu.memory_space<vmem>>
    %dma_wait3A_125 = tpu.memref_squeeze %dma_wait3A_124 : memref<1x128x64xf32, #tpu.memory_space<vmem>> -> memref<128x64xf32, #tpu.memory_space<vmem>>
    %dma_wait3A_126 = arith.constant 0 : i32
    %dma_wait3A_127 = arith.constant 0 : i32
    %dma_wait3A_128 = tpu.memref_slice %arg4[%dma_wait3A_126, %dma_wait3A_127] : memref<819200x128xf32, #tpu.memory_space<hbm>> -> memref<128x64xf32, #tpu.memory_space<hbm>>
    %dma_wait3A_129 = tpu.memref_slice %arg8[%dma_wait3A_121] : memref<8x!tpu.dma_semaphore, #tpu.memory_space<semaphore_mem>> -> memref<1x!tpu.dma_semaphore, #tpu.memory_space<semaphore_mem>>
    %dma_wait3A_130 = tpu.memref_squeeze %dma_wait3A_129 : memref<1x!tpu.dma_semaphore, #tpu.memory_space<semaphore_mem>> -> memref<!tpu.dma_semaphore, #tpu.memory_space<semaphore_mem>>
    %dma_wait3A_131 = arith.constant 0 : i32
    %dma_wait3A_132 = arith.constant 0 : i32
    %dma_wait3A_133 = tpu.memref_slice %arg4[%dma_wait3A_131, %dma_wait3A_132] : memref<819200x128xf32, #tpu.memory_space<hbm>> -> memref<128x64xf32, #tpu.memory_space<hbm>>
    %dma_wait3A_134 = arith.constant 0 : i32
    %dma_wait3A_135 = arith.constant 0 : i32
    %dma_wait3A_136 = tpu.memref_slice %arg6[%dma_wait3A_120, %dma_wait3A_134, %dma_wait3A_135] : memref<8x128x64xf32, #tpu.memory_space<vmem>> -> memref<1x128x64xf32, #tpu.memory_space<vmem>>
    %dma_wait3A_137 = tpu.memref_squeeze %dma_wait3A_136 : memref<1x128x64xf32, #tpu.memory_space<vmem>> -> memref<128x64xf32, #tpu.memory_space<vmem>>
    tpu.wait_dma2 semaphore(%dma_wait3A_130 : memref<!tpu.dma_semaphore, #tpu.memory_space<semaphore_mem>>) src(%dma_wait3A_137 : memref<128x64xf32, #tpu.memory_space<vmem>>) dst(%dma_wait3A_133 : memref<128x64xf32, #tpu.memory_space<hbm>>)
    %dma_wait3A_138 = arith.constant 4 : i32
    %dma_wait3A_139 = arith.constant 4 : i32
    %dma_wait3A_140 = arith.constant 0 : i32
    %dma_wait3A_141 = arith.constant 0 : i32
    %dma_wait3A_142 = tpu.memref_slice %arg6[%dma_wait3A_138, %dma_wait3A_140, %dma_wait3A_141] : memref<8x128x64xf32, #tpu.memory_space<vmem>> -> memref<1x128x64xf32, #tpu.memory_space<vmem>>
    %dma_wait3A_143 = tpu.memref_squeeze %dma_wait3A_142 : memref<1x128x64xf32, #tpu.memory_space<vmem>> -> memref<128x64xf32, #tpu.memory_space<vmem>>
    %dma_wait3A_144 = arith.constant 0 : i32
    %dma_wait3A_145 = arith.constant 0 : i32
    %dma_wait3A_146 = tpu.memref_slice %arg4[%dma_wait3A_144, %dma_wait3A_145] : memref<819200x128xf32, #tpu.memory_space<hbm>> -> memref<128x64xf32, #tpu.memory_space<hbm>>
    %dma_wait3A_147 = tpu.memref_slice %arg8[%dma_wait3A_139] : memref<8x!tpu.dma_semaphore, #tpu.memory_space<semaphore_mem>> -> memref<1x!tpu.dma_semaphore, #tpu.memory_space<semaphore_mem>>
    %dma_wait3A_148 = tpu.memref_squeeze %dma_wait3A_147 : memref<1x!tpu.dma_semaphore, #tpu.memory_space<semaphore_mem>> -> memref<!tpu.dma_semaphore, #tpu.memory_space<semaphore_mem>>
    %dma_wait3A_149 = arith.constant 0 : i32
    %dma_wait3A_150 = arith.constant 0 : i32
    %dma_wait3A_151 = tpu.memref_slice %arg4[%dma_wait3A_149, %dma_wait3A_150] : memref<819200x128xf32, #tpu.memory_space<hbm>> -> memref<128x64xf32, #tpu.memory_space<hbm>>
    %dma_wait3A_152 = arith.constant 0 : i32
    %dma_wait3A_153 = arith.constant 0 : i32
    %dma_wait3A_154 = tpu.memref_slice %arg6[%dma_wait3A_138, %dma_wait3A_152, %dma_wait3A_153] : memref<8x128x64xf32, #tpu.memory_space<vmem>> -> memref<1x128x64xf32, #tpu.memory_space<vmem>>
    %dma_wait3A_155 = tpu.memref_squeeze %dma_wait3A_154 : memref<1x128x64xf32, #tpu.memory_space<vmem>> -> memref<128x64xf32, #tpu.memory_space<vmem>>
    tpu.wait_dma2 semaphore(%dma_wait3A_148 : memref<!tpu.dma_semaphore, #tpu.memory_space<semaphore_mem>>) src(%dma_wait3A_155 : memref<128x64xf32, #tpu.memory_space<vmem>>) dst(%dma_wait3A_151 : memref<128x64xf32, #tpu.memory_space<hbm>>)
    %dma_wait3A_156 = arith.constant 5 : i32
    %dma_wait3A_157 = arith.constant 5 : i32
    %dma_wait3A_158 = arith.constant 0 : i32
    %dma_wait3A_159 = arith.constant 0 : i32
    %dma_wait3A_160 = tpu.memref_slice %arg6[%dma_wait3A_156, %dma_wait3A_158, %dma_wait3A_159] : memref<8x128x64xf32, #tpu.memory_space<vmem>> -> memref<1x128x64xf32, #tpu.memory_space<vmem>>
    %dma_wait3A_161 = tpu.memref_squeeze %dma_wait3A_160 : memref<1x128x64xf32, #tpu.memory_space<vmem>> -> memref<128x64xf32, #tpu.memory_space<vmem>>
    %dma_wait3A_162 = arith.constant 0 : i32
    %dma_wait3A_163 = arith.constant 0 : i32
    %dma_wait3A_164 = tpu.memref_slice %arg4[%dma_wait3A_162, %dma_wait3A_163] : memref<819200x128xf32, #tpu.memory_space<hbm>> -> memref<128x64xf32, #tpu.memory_space<hbm>>
    %dma_wait3A_165 = tpu.memref_slice %arg8[%dma_wait3A_157] : memref<8x!tpu.dma_semaphore, #tpu.memory_space<semaphore_mem>> -> memref<1x!tpu.dma_semaphore, #tpu.memory_space<semaphore_mem>>
    %dma_wait3A_166 = tpu.memref_squeeze %dma_wait3A_165 : memref<1x!tpu.dma_semaphore, #tpu.memory_space<semaphore_mem>> -> memref<!tpu.dma_semaphore, #tpu.memory_space<semaphore_mem>>
    %dma_wait3A_167 = arith.constant 0 : i32
    %dma_wait3A_168 = arith.constant 0 : i32
    %dma_wait3A_169 = tpu.memref_slice %arg4[%dma_wait3A_167, %dma_wait3A_168] : memref<819200x128xf32, #tpu.memory_space<hbm>> -> memref<128x64xf32, #tpu.memory_space<hbm>>
    %dma_wait3A_170 = arith.constant 0 : i32
    %dma_wait3A_171 = arith.constant 0 : i32
    %dma_wait3A_172 = tpu.memref_slice %arg6[%dma_wait3A_156, %dma_wait3A_170, %dma_wait3A_171] : memref<8x128x64xf32, #tpu.memory_space<vmem>> -> memref<1x128x64xf32, #tpu.memory_space<vmem>>
    %dma_wait3A_173 = tpu.memref_squeeze %dma_wait3A_172 : memref<1x128x64xf32, #tpu.memory_space<vmem>> -> memref<128x64xf32, #tpu.memory_space<vmem>>
    tpu.wait_dma2 semaphore(%dma_wait3A_166 : memref<!tpu.dma_semaphore, #tpu.memory_space<semaphore_mem>>) src(%dma_wait3A_173 : memref<128x64xf32, #tpu.memory_space<vmem>>) dst(%dma_wait3A_169 : memref<128x64xf32, #tpu.memory_space<hbm>>)
    %dma_wait3A_174 = arith.constant 6 : i32
    %dma_wait3A_175 = arith.constant 6 : i32
    %dma_wait3A_176 = arith.constant 0 : i32
    %dma_wait3A_177 = arith.constant 0 : i32
    %dma_wait3A_178 = tpu.memref_slice %arg6[%dma_wait3A_174, %dma_wait3A_176, %dma_wait3A_177] : memref<8x128x64xf32, #tpu.memory_space<vmem>> -> memref<1x128x64xf32, #tpu.memory_space<vmem>>
    %dma_wait3A_179 = tpu.memref_squeeze %dma_wait3A_178 : memref<1x128x64xf32, #tpu.memory_space<vmem>> -> memref<128x64xf32, #tpu.memory_space<vmem>>
    %dma_wait3A_180 = arith.constant 0 : i32
    %dma_wait3A_181 = arith.constant 0 : i32
    %dma_wait3A_182 = tpu.memref_slice %arg4[%dma_wait3A_180, %dma_wait3A_181] : memref<819200x128xf32, #tpu.memory_space<hbm>> -> memref<128x64xf32, #tpu.memory_space<hbm>>
    %dma_wait3A_183 = tpu.memref_slice %arg8[%dma_wait3A_175] : memref<8x!tpu.dma_semaphore, #tpu.memory_space<semaphore_mem>> -> memref<1x!tpu.dma_semaphore, #tpu.memory_space<semaphore_mem>>
    %dma_wait3A_184 = tpu.memref_squeeze %dma_wait3A_183 : memref<1x!tpu.dma_semaphore, #tpu.memory_space<semaphore_mem>> -> memref<!tpu.dma_semaphore, #tpu.memory_space<semaphore_mem>>
    %dma_wait3A_185 = arith.constant 0 : i32
    %dma_wait3A_186 = arith.constant 0 : i32
    %dma_wait3A_187 = tpu.memref_slice %arg4[%dma_wait3A_185, %dma_wait3A_186] : memref<819200x128xf32, #tpu.memory_space<hbm>> -> memref<128x64xf32, #tpu.memory_space<hbm>>
    %dma_wait3A_188 = arith.constant 0 : i32
    %dma_wait3A_189 = arith.constant 0 : i32
    %dma_wait3A_190 = tpu.memref_slice %arg6[%dma_wait3A_174, %dma_wait3A_188, %dma_wait3A_189] : memref<8x128x64xf32, #tpu.memory_space<vmem>> -> memref<1x128x64xf32, #tpu.memory_space<vmem>>
    %dma_wait3A_191 = tpu.memref_squeeze %dma_wait3A_190 : memref<1x128x64xf32, #tpu.memory_space<vmem>> -> memref<128x64xf32, #tpu.memory_space<vmem>>
    tpu.wait_dma2 semaphore(%dma_wait3A_184 : memref<!tpu.dma_semaphore, #tpu.memory_space<semaphore_mem>>) src(%dma_wait3A_191 : memref<128x64xf32, #tpu.memory_space<vmem>>) dst(%dma_wait3A_187 : memref<128x64xf32, #tpu.memory_space<hbm>>)
    %dma_wait3A_192 = arith.constant 7 : i32
    %dma_wait3A_193 = arith.constant 7 : i32
    %dma_wait3A_194 = arith.constant 0 : i32
    %dma_wait3A_195 = arith.constant 0 : i32
    %dma_wait3A_196 = tpu.memref_slice %arg6[%dma_wait3A_192, %dma_wait3A_194, %dma_wait3A_195] : memref<8x128x64xf32, #tpu.memory_space<vmem>> -> memref<1x128x64xf32, #tpu.memory_space<vmem>>
    %dma_wait3A_197 = tpu.memref_squeeze %dma_wait3A_196 : memref<1x128x64xf32, #tpu.memory_space<vmem>> -> memref<128x64xf32, #tpu.memory_space<vmem>>
    %dma_wait3A_198 = arith.constant 0 : i32
    %dma_wait3A_199 = arith.constant 0 : i32
    %dma_wait3A_200 = tpu.memref_slice %arg4[%dma_wait3A_198, %dma_wait3A_199] : memref<819200x128xf32, #tpu.memory_space<hbm>> -> memref<128x64xf32, #tpu.memory_space<hbm>>
    %dma_wait3A_201 = tpu.memref_slice %arg8[%dma_wait3A_193] : memref<8x!tpu.dma_semaphore, #tpu.memory_space<semaphore_mem>> -> memref<1x!tpu.dma_semaphore, #tpu.memory_space<semaphore_mem>>
    %dma_wait3A_202 = tpu.memref_squeeze %dma_wait3A_201 : memref<1x!tpu.dma_semaphore, #tpu.memory_space<semaphore_mem>> -> memref<!tpu.dma_semaphore, #tpu.memory_space<semaphore_mem>>
    %dma_wait3A_203 = arith.constant 0 : i32
    %dma_wait3A_204 = arith.constant 0 : i32
    %dma_wait3A_205 = tpu.memref_slice %arg4[%dma_wait3A_203, %dma_wait3A_204] : memref<819200x128xf32, #tpu.memory_space<hbm>> -> memref<128x64xf32, #tpu.memory_space<hbm>>
    %dma_wait3A_206 = arith.constant 0 : i32
    %dma_wait3A_207 = arith.constant 0 : i32
    %dma_wait3A_208 = tpu.memref_slice %arg6[%dma_wait3A_192, %dma_wait3A_206, %dma_wait3A_207] : memref<8x128x64xf32, #tpu.memory_space<vmem>> -> memref<1x128x64xf32, #tpu.memory_space<vmem>>
    %dma_wait3A_209 = tpu.memref_squeeze %dma_wait3A_208 : memref<1x128x64xf32, #tpu.memory_space<vmem>> -> memref<128x64xf32, #tpu.memory_space<vmem>>
    tpu.wait_dma2 semaphore(%dma_wait3A_202 : memref<!tpu.dma_semaphore, #tpu.memory_space<semaphore_mem>>) src(%dma_wait3A_209 : memref<128x64xf32, #tpu.memory_space<vmem>>) dst(%dma_wait3A_205 : memref<128x64xf32, #tpu.memory_space<hbm>>)
    return
  }
}

</mosaic_0001>

<sc_bundles>
// kernel: kernel.3.cloned.1.call-start
scs
__scs_entry_jumppad:
0x0: {  	(pc) =	sbr.rel $0x88, $3  }
0x1: {  	(tag) =	ssettag $0x0;
	lr =	simm.s32 $0x1  }
0x2: {  	[smem:$0x3F9F] =	sst lr;
	_ =	strace $0xD0000000  }
0x3: {  	_ = 	snop  }
0x4: {  	_ = 	snop  }
0x5: {  	_ = 	snop  }
0x6: {  	_ = 	snop  }
0x7: {  	_ = 	snop  }
__scs_overlays_trampoline_lowered:
0x8: {  	[smem:$0x3FAE] =	sst s0  }
0x9: {  	[smem:$0x3FAF] =	sst s1  }
0xa: {  	[smem:$0x3FB0] =	sst s2  }
0xb: {  	[smem:$0x3FB1] =	sst s3  }
0xc: {  	[smem:$0x3FB2] =	sst s4  }
0xd: {  	[smem:$0x3FB3] =	sst s5  }
0xe: {  	[smem:$0x3FB4] =	sst s6  }
0xf: {  	[smem:$0x3FB5] =	sst s7  }
0x10: {  	[smem:$0x3FB6] =	sst s8  }
0x11: {  	[smem:$0x3FB7] =	sst s9;
	s0 =	simm.s32 @!p0 $0x0  }
0x12: {  	s1 =	sld [smem:$0x3F9D];
	s0 =	simm.s32 @p0 $0x1  }
0x13: {  	[smem:$0x3FB8] =	sst s0;
	s0 =	simm.s32 @!p1 $0x0  }
0x14: {  	s2 =	sld [smem:$0x3F9C];
	s0 =	simm.s32 @p1 $0x1  }
0x15: {  	[smem:$0x3FB9] =	sst s0;
	s0 =	simm.s32 @!p2 $0x0  }
0x16: {  	s3 =	sld [smem:$0x3FDB];
	s0 =	simm.s32 @p2 $0x1  }
0x17: {  	s4 =	simm.s32 $0x1BF5;
	[smem:$0x3FBB] =	sst s0  }
0x18: {  	s0 =	sld [smem:$0x3F9E];
	_ =	swait.ge [sflag:s4], $0x0  }
0x19: {  	s7 =	sld [smem:$0x3F9F]  }
0x1a: {  	s8 =	sadd.s32 $0xFFFFE003, lr  }
0x1b: {  	s9 =	sadd.s32 $0xFFFFFEF7, lr;
	s5 =	simm.s32 $0xFFFFFFFF;
	p2 =	slt.u32 s8, $0xFFFFF086  }
0x1c: {  	p1 =	slt.u32 s9, $0xF7A;
	s5 =	simm.s32 @!p2 $0x0  }
0x1d: {  	s5 =	simm.s32 @p1 $0x1;
	p0 =	seq.s32 s7, s2  }
0x1e: {  	s7 =	smul.u32 @!p0 $0xF7A, s2;
	p2 =	seq.s32 @!p0 s5, $0x0  }
0x1f: {  	s9 =	smul.u32 $0xF7A, s1;
	s8 =	simm.s32 @!p0 $0x1BF5;
	p2 =	por !p2, p0  }
0x20: {  	[sflag:s8] =	ssyncset.s32 @!p0 $0xFFFFF086;
	s6 =	sadd.s32 @!p0 s3, s7;
	s7 =	simm.s32 @!p0 $0x108  }
0x21: {  	s3 =	sadd.s32 s3, s9;
	s6 =	sadd.s32 @!p0 $0x88, s6;
	s7 =	simm.s32 @p2 $0x1082  }
0x22: {  	[simem:s7], [sflag:s8] =	dma.local @!p0 [hbm:s6], $0xF7A  }
0x23: {  	s9 =	sor.u32 $0xD0000000, s2;
	s6 =	simm.s32 $0x108;
	_ =	swait.ge @!p0 [sflag:s8], $0x0  }
0x24: {  	s3 =	sadd.s32 $0x88, s3;
	s6 =	simm.s32 @!p1 $0x1082;
	[sflag:s4] =	ssyncset.s32 $0xFFFFF086  }
0x25: {  	[simem:s6], [sflag:s4] =	dma.local [hbm:s3], $0xF7A  }
0x26: {  	[smem:$0x3F9F] =	sst s1;
	(tag) =	ssettag s2;
	_ =	strace s9  }
0x27: {  	s1 =	sld [smem:$0x3FAF]  }
0x28: {  	s2 =	sld [smem:$0x3FB0]  }
0x29: {  	s4 =	sld [smem:$0x3FB2]  }
0x2a: {  	p0 =	seq.s32 s5, $0x0;
	s5 =	sld [smem:$0x3FB3]  }
0x2b: {  	s6 =	sld [smem:$0x3FB4]  }
0x2c: {  	s7 =	sld [smem:$0x3FB5]  }
0x2d: {  	s3 =	simm.s32 $0x108;
	s8 =	sld [smem:$0x3FB6]  }
0x2e: {  	s3 =	simm.s32 @!p0 $0x1082;
	s9 =	sld [smem:$0x3FB7]  }
0x2f: {  	lr =	sadd.s32 s0, s3;
	s0 =	sld [smem:$0x3FAE]  }
0x30: {  	s3 =	sld [smem:$0x3FB1]  }
0x31: {  	[smem:$0x3FBA] =	sst s10  }
0x32: {  	s10 =	sld [smem:$0x3FB8];
	_ =	sdelay $0x3  }
0x33: {  	p0 =	seq.s32 s10, $0x1;
	s10 =	sld [smem:$0x3FBA];
	_ =	sdelay $0x3  }
0x34: {  	[smem:$0x3FBA] =	sst s10  }
0x35: {  	s10 =	sld [smem:$0x3FB9];
	_ =	sdelay $0x3  }
0x36: {  	p1 =	seq.s32 s10, $0x1;
	s10 =	sld [smem:$0x3FBA];
	_ =	sdelay $0x3  }
0x37: {  	[smem:$0x3FBA] =	sst s10  }
0x38: {  	s10 =	sld [smem:$0x3FBB]  }
0x39: {  	_ = 	snop;
	(pc) =	sbr.ind lr, $3  }
0x3a: {  	_ = 	snop  }
0x3b: {  	_ = 	snop  }
0x3c: {  	p2 =	seq.s32 s10, $0x1;
	s10 =	sld [smem:$0x3FBA]  }
0x3d: {  	_ =	shalt  }
0x3e: {  	_ =	shalt  }
0x3f: {  	_ =	shalt  }
0x40: {  	_ =	shalt  }
0x41: {  	_ =	shalt  }
0x42: {  	_ =	shalt  }
0x43: {  	_ =	shalt  }
0x44: {  	_ =	shalt  }
0x45: {  	_ =	shalt  }
0x46: {  	_ =	shalt  }
0x47: {  	_ =	shalt  }
0x48: {  	_ =	shalt  }
0x49: {  	_ =	shalt  }
0x4a: {  	_ =	shalt  }
0x4b: {  	_ =	shalt  }
0x4c: {  	_ =	shalt  }
0x4d: {  	_ =	shalt  }
0x4e: {  	_ =	shalt  }
0x4f: {  	_ =	shalt  }
0x50: {  	_ =	shalt  }
0x51: {  	_ =	shalt  }
0x52: {  	_ =	shalt  }
0x53: {  	_ =	shalt  }
0x54: {  	_ =	shalt  }
0x55: {  	_ =	shalt  }
0x56: {  	_ =	shalt  }
0x57: {  	_ =	shalt  }
0x58: {  	_ =	shalt  }
0x59: {  	_ =	shalt  }
0x5a: {  	_ =	shalt  }
0x5b: {  	_ =	shalt  }
0x5c: {  	_ =	shalt  }
0x5d: {  	_ =	shalt  }
0x5e: {  	_ =	shalt  }
0x5f: {  	_ =	shalt  }
0x60: {  	_ =	shalt  }
0x61: {  	_ =	shalt  }
0x62: {  	_ =	shalt  }
0x63: {  	_ =	shalt  }
0x64: {  	_ =	shalt  }
0x65: {  	_ =	shalt  }
0x66: {  	_ =	shalt  }
0x67: {  	_ =	shalt  }
0x68: {  	_ =	shalt  }
0x69: {  	_ =	shalt  }
0x6a: {  	_ =	shalt  }
0x6b: {  	_ =	shalt  }
0x6c: {  	_ =	shalt  }
0x6d: {  	_ =	shalt  }
0x6e: {  	_ =	shalt  }
0x6f: {  	_ =	shalt  }
0x70: {  	_ =	shalt  }
0x71: {  	_ =	shalt  }
0x72: {  	_ =	shalt  }
0x73: {  	_ =	shalt  }
0x74: {  	_ =	shalt  }
0x75: {  	_ =	shalt  }
0x76: {  	_ =	shalt  }
0x77: {  	_ =	shalt  }
0x78: {  	_ =	shalt  }
0x79: {  	_ =	shalt  }
0x7a: {  	_ =	shalt  }
0x7b: {  	_ =	shalt  }
0x7c: {  	_ =	shalt  }
0x7d: {  	_ =	shalt  }
0x7e: {  	_ =	shalt  }
0x7f: {  	_ =	shalt  }
0x80: {  	_ =	shalt  }
0x81: {  	_ =	shalt  }
0x82: {  	_ =	shalt  }
0x83: {  	_ =	shalt  }
0x84: {  	_ =	shalt  }
0x85: {  	_ =	shalt  }
0x86: {  	_ =	shalt  }
0x87: {  	_ =	shalt  }
.Lfunc_end0:
.L_simem_size_0:
called_computation.2_lowered:
.L_overlay_start_0:
0x88: {  	s2 =	sld [smem:$0x3FD9]  }
0x89: {  	s3 =	sld [smem:$0x3FFE];
	_ =	sdelay $0x1  }
0x8a: {  	s1 =	srdreg.scid  }
0x8b: {  	s0 =	sand.u32 $0x1, s1  }
0x8c: {  	s17 =	sshll.u32 s0, $0xA;
	s2 =	sadd.s32 s3, s2  }
0x8d: {  	s2 =	sadd.s32 s2, s17  }
0x8e: {  	[smem:$0x3FC6] =	sst s2  }
0x8f: {  	_ = 	snop  }
0x90: {  	s2 =	sld [smem:$0x3FD0];
	(tm) =	ssettm $0x1  }
0x91: {  	s18 =	sld [smem:$0x3FFB];
	_ =	sdelay $0x3  }
0x92: {  	_ =	strace s18  }
0x93: {  	s3 =	sld [smem:$0x3FFC];
	_ =	sdelay $0x3  }
0x94: {  	_ =	strace s3  }
0x95: {  	s3 =	sld [smem:$0x3FFD];
	_ =	sdelay $0x3  }
0x96: {  	_ =	strace s3  }
0x97: {  	_ =	strace $0x8FFFFFFF  }
0x98: {  	s19 =	sld [smem:$0x3FDB];
	_ =	sdelay $0x1  }
0x99: {  	s4 =	simm.s32 $_scs_section_size  }
0x9a: {  	s5 =	simm.s32 $_size__tile_overlayer_lowered;
	s6 =	simm.s32 $_tile_overlayer_lowered  }
0x9b: {  	s22 =	simm.s32 $0x1BFF;
	s21 =	sshll.u32 s6, $0x1;
	s3 =	sadd.s32 s4, s19  }
0x9c: {  	s7 =	simm.s32 $0x0;
	s20 =	sshll.u32 s5, $0x1;
	s5 =	sadd.s32 s21, s3  }
0x9d: {  	[timem:s7], [sflag:s22] =	dma.local [hbm:s5], s20  }
0x9e: {  	_ =	swait.ge [sflag:s22], s20  }
0x9f: {  	s4 =	ssub.s32 $0x0, s20;
	[sflag:s22] =	ssyncset.done $0x0  }
0xa0: {  	[sflag:s22] =	ssyncadd.s32 s4;
	_ =	sdelay $0x1  }
0xa1: {  	s23 =	simm.s32 $0x1B8B  }
0xa2: {  	_ =	swait.ge [sflag:s23], $0x1  }
0xa3: {  	[sflag:s23] =	ssyncset.done $0x0  }
0xa4: {  	s25 =	simm.s32 $0x1B8E;
	s24 =	sld [smem:$0x3FFE];
	[sflag:s23] =	ssyncadd.s32 $0xFFFFFFFF  }
0xa5: {  	s26 =	simm.s32 $execute0_lowered;
	[smem:$0x3FD2] =	sst s25  }
0xa6: {  	s5 =	sshll.u32 s26, $0x1;
	_ =	strace $0x80000049;
	[dreg:$0x1] =	wrdreg $0xFFFFFFFF  }
0xa7: {  	s28 =	simm.s32 $_size_execute0_lowered;
	s3 =	sadd.s32 s3, s5;
	[dreg:$0x0] =	wrdreg $0x0  }
0xa8: {  	s5 =	sshll.u32 s28, $0x1;
	[dreg:$0x2] =	wrdreg s3  }
0xa9: {  	[dreg:$0x3] =	wrdreg s5  }
0xaa: {  	[dreg:$0x4] =	wrdreg $0xC0  }
0xab: {  	_ =	task [dreg:s7], $0x5FFFF  }
0xac: {  	[dreg:$0x1] =	wrdreg $0xFFFFFFFF  }
0xad: {  	[dreg:$0x0] =	wrdreg $0x60  }
0xae: {  	[dreg:$0x2] =	wrdreg s2  }
0xaf: {  	[dreg:$0x3] =	wrdreg s24  }
0xb0: {  	[dreg:$0x4] =	wrdreg $0x9  }
0xb1: {  	_ =	task.clear_ibuf [dreg:s7], $0x5FFFF;
	_ =	strace $0x90000049  }
0xb2: {  	s29 =	simm.s32 $0x9;
	_ =	strace $0x8000004B  }
0xb3: {  	_ =	swait.ge [sflag:s29], $0x1  }
0xb4: {  	[sflag:s29] =	ssyncadd.s32 $0xFFFFFFFF  }
0xb5: {  	_ =	strace $0x9000004B  }
0xb6: {  	_ =	sfence  }
0xb7: {  	s30 =	sld [smem:$0x0];
	_ =	sdelay $0x2  }
0xb8: {  	s31 =	sshll.u32 s1, $0xD;
	s1 =	sshrl.u32 s1, $0x2  }
0xb9: {  	s3 =	sand.u32 $0x4000, s31;
	s1 =	sadd.s32 s1, s30  }
0xba: {  	s0 =	sor.u32 s3, s0;
	s1 =	sshll.u32 s1, $0x11  }
0xbb: {  	s0 =	sor.u32 s1, s0  }
0xbc: {  	s0 =	sadd.s32 $0x8F2B, s0  }
0xbd: {  	[sflag:s0] =	ssyncadd.remote.s32 $0x1  }
0xbe: {  	_ =	sfence.sel $0xFFFF  }
0xbf: {  	[dreg:$0x0] =	wrdreg $0xFFFFFFFF;
	(pc) =	sbr.abs _section_cstart, $3  }
0xc0: {  	[dreg:$0x1] =	wrdreg $0xFFFFFFFF  }
0xc1: {  	_ =	task.clear_ibuf [dreg:s7], $0x2FFFF;
	_ =	strace $0x9FFFFFFF  }
0xc2: {  	(tm) =	ssettm $0x7FFFFFFF  }
0xc3: {  	_ =	shalt  }
tec
execute0_lowered:
.L_overlay_start_1:
0x0: {  	(tag) =	ssettag $0x1  }
0x1: {  	s0 =	rddreg [dreg:$0x0]  }
0x2: {  	s1 =	rddreg [dreg:$0x1]  }
0x3: {  	s2 =	srdreg.scid;
	s4 =	stileid.u32;
	s3 =	simm.s32 $0x0  }
0x4: {  	s16 =	simm.s32 $0xE400;
	s17 =	simm.s32 $0x1;
	s18 =	simm.s32 $0x40  }
0x5: {  	s19 =	simm.s32 $0x10400;
	s20 =	simm.s32 $0x2;
	s21 =	simm.s32 $0x12400  }
0x6: {  	s22 =	simm.s32 $0x3;
	s23 =	simm.s32 $0x14400;
	s28 =	simm.s32 $0x7  }
0x7: {  	s29 =	simm.s32 $0x8;
	s11 =	simm.s32 $0x6400;
	s13 =	simm.s32 $0x8400  }
0x8: {  	s15 =	simm.s32 $0xA400;
	s2 =	sand.u32 $0x1, s2;
	s5 =	smul.u32 $0x190, s4  }
0x9: {  	[smem:$0x7FF] =	sst s3;
	s3 =	sadd.s32 $0xF43200, s1;
	s9 =	smul.u32 $0xC8000, s4  }
0xa: {  	s1 =	sadd.s32 $0xE00, s1;
	s7 =	sshll.u32 s4, $0x1;
	s6 =	smul.u32 $0xC8, s2  }
0xb: {  	s24 =	ssub.s32 $0x2, s2;
	s7 =	sor.u32 s2, s7;
	s2 =	smul.u32 $0x64000, s2  }
0xc: {  	_ =	strace $0x8000004A;
	[dreg:$0x7] =	wrdreg s1;
	s7 =	smul.u32 $0xC80, s7  }
0xd: {  	s25 =	sshrl.u32 s24, $0x1;
	s5 =	sadd.s32 s6, s5;
	s2 =	sadd.s32 s2, s9  }
0xe: {  	s1 =	ssub.s32 s24, s25;
	s0 =	sadd.s32 s0, s7;
	[dreg:$0x6] =	wrdreg s2  }
0xf: {  	s5 =	sshll.u32 s5, $0xB;
	s31 =	smax.u32 s1, $0x1;
	[dreg:$0x8] =	wrdreg s0  }
0x10: {  	s9 =	simm.s32 $0x80;
	s8 =	sor.u32 $0x1000, s5;
	[dreg:$0x9] =	wrdreg s31  }
0x11: {  	s24 =	simm.s32 $0x4;
	s26 =	sor.u32 $0x3000, s5;
	[dreg:$0x3] =	wrdreg s8  }
0x12: {  	s25 =	simm.s32 $0x5;
	s30 =	sor.u32 $0x2000, s5;
	[dreg:$0x4] =	wrdreg s26  }
0x13: {  	s2 =	simm.s32 $0x0;
	[dreg:$0x5] =	wrdreg s30;
	s26 =	simm.s32 $0x6  }
.LBB2_1:
0x14: {  	[dreg:$0xa] =	wrdreg s2  }
0x15: {  	s0 =	simm.s32 $0x0;
	s1 =	rddreg [dreg:$0x8];
	s7 =	simm.s32 $0x11  }
0x16: {  	[tilespmem:s0], [sflag:$0x11] =	stream.linear.gather [hbm4b:s1+s0], $0x6400, $0x38;
	[tilespmem:$0x16400] =	vst v63  }
0x17: {  	_ =	swait.ge [sflag:s7], $0x6400  }
0x18: {  	[sflag:s7] =	ssyncset.done $0x0  }
0x19: {  	s2 =	simm.s32 $0x6400;
	[sflag:s7] =	ssyncadd.s32 $0xFFFF9C00  }
0x1a: {  	[tilespmem:s2], [sflag:$0x1] =	stream.indirect.gather [hbm4b:s3+s9], $0x40, s0, s9, $0xb8;
	[tilespmem:$0x16400] =	vst v63  }
0x1b: {  	s6 =	simm.s32 $0x8400  }
0x1c: {  	[tilespmem:s6], [sflag:$0x2] =	stream.indirect.gather [hbm4b:s3+s9], $0x40, s9, s9, $0xb8;
	[tilespmem:$0x16400] =	vst v63  }
0x1d: {  	s8 =	simm.s32 $0x100;
	p0 =	por $0x1, $0x1;
	s7 =	simm.s32 $0xA400  }
0x1e: {  	[tilespmem:s7], [sflag:$0x3] =	stream.indirect.gather [hbm4b:s3+s9], $0x40, s8, s9, $0xb8;
	[tilespmem:$0x16400] =	vst v63  }
0x1f: {  	s10 =	simm.s32 $0x180;
	s0 =	simm.s32 @!p0 $0xD;
	s8 =	simm.s32 $0xC400  }
0x20: {  	[tilespmem:s8], [sflag:$0x4] =	stream.indirect.gather [hbm4b:s3+s9], $0x40, s10, s9, $0xb8;
	[tilespmem:$0x16400] =	vst v63  }
0x21: {  	_ =	swait.ge @!p0 [sflag:s0], $0x2000  }
0x22: {  	[sflag:s0] =	ssyncset.done @!p0 $0x0  }
0x23: {  	s12 =	simm.s32 $0x200;
	[sflag:s0] =	ssyncadd.s32 @!p0 $0xFFFFE000  }
0x24: {  	[tilespmem:s16], [sflag:$0x5] =	stream.indirect.gather [hbm4b:s3+s9], $0x40, s12, s9, $0xb8;
	[tilespmem:$0x16400] =	vst v63  }
0x25: {  	_ =	swait.ge [sflag:s17], $0x2000  }
0x26: {  	s14 =	rddreg [dreg:$0x6]  }
0x27: {  	[sflag:s17] =	ssyncset.done $0x0;
	s4 =	rddreg [dreg:$0x7]  }
0x28: {  	s1 =	simm.s32 @!p0 $0xE;
	[sflag:s17] =	ssyncadd.s32 $0xFFFFE000;
	s0 =	sadd.s32 s4, s14  }
0x29: {  	[hbm4b:s0+s18] =	stream.strided.scatter [tilespmem:s2], [sflag:$0x9], $0x2000, s9, s18, $0x38;
	[tilespmem:$0x16400] =	vst v63  }
0x2a: {  	_ =	swait.ge @!p0 [sflag:s1], $0x2000  }
0x2b: {  	[sflag:s1] =	ssyncset.done @!p0 $0x0  }
0x2c: {  	s2 =	simm.s32 $0x280;
	[sflag:s1] =	ssyncadd.s32 @!p0 $0xFFFFE000  }
0x2d: {  	[tilespmem:s19], [sflag:$0x6] =	stream.indirect.gather [hbm4b:s3+s9], $0x40, s2, s9, $0xb8;
	[tilespmem:$0x16400] =	vst v63  }
0x2e: {  	_ =	swait.ge [sflag:s20], $0x2000  }
0x2f: {  	s0 =	sadd.s32 s4, s5;
	[sflag:s20] =	ssyncset.done $0x0  }
0x30: {  	s10 =	sadd.s32 $0x800, s0;
	s2 =	simm.s32 @!p0 $0xF;
	[sflag:s20] =	ssyncadd.s32 $0xFFFFE000  }
0x31: {  	[hbm4b:s10+s18] =	stream.strided.scatter [tilespmem:s6], [sflag:$0xA], $0x2000, s9, s18, $0x38;
	[tilespmem:$0x16400] =	vst v63  }
0x32: {  	_ =	swait.ge @!p0 [sflag:s2], $0x2000  }
0x33: {  	[sflag:s2] =	ssyncset.done @!p0 $0x0  }
0x34: {  	s12 =	simm.s32 $0x300;
	[sflag:s2] =	ssyncadd.s32 @!p0 $0xFFFFE000  }
0x35: {  	[tilespmem:s21], [sflag:$0x7] =	stream.indirect.gather [hbm4b:s3+s9], $0x40, s12, s9, $0xb8;
	[tilespmem:$0x16400] =	vst v63  }
0x36: {  	_ =	swait.ge [sflag:s22], $0x2000  }
0x37: {  	s14 =	rddreg [dreg:$0x3];
	[sflag:s22] =	ssyncset.done $0x0  }
0x38: {  	s2 =	simm.s32 @!p0 $0x10;
	[sflag:s22] =	ssyncadd.s32 $0xFFFFE000;
	s1 =	sadd.s32 s4, s14  }
0x39: {  	[hbm4b:s1+s18] =	stream.strided.scatter [tilespmem:s7], [sflag:$0xB], $0x2000, s9, s18, $0x38;
	[tilespmem:$0x16400] =	vst v63  }
0x3a: {  	_ =	swait.ge @!p0 [sflag:s2], $0x2000  }
0x3b: {  	[sflag:s2] =	ssyncset.done @!p0 $0x0  }
0x3c: {  	s6 =	simm.s32 $0x380;
	[sflag:s2] =	ssyncadd.s32 @!p0 $0xFFFFE000  }
0x3d: {  	[tilespmem:s23], [sflag:$0x8] =	stream.indirect.gather [hbm4b:s3+s9], $0x40, s6, s9, $0xb8;
	[tilespmem:$0x16400] =	vst v63  }
0x3e: {  	_ =	swait.ge [sflag:s24], $0x2000  }
0x3f: {  	p0 =	por $0x0, $0x0;
	[sflag:s24] =	ssyncset.done $0x0  }
0x40: {  	s7 =	sadd.s32 $0x1800, s0;
	s2 =	simm.s32 @!p0 $0x9;
	[sflag:s24] =	ssyncadd.s32 $0xFFFFE000  }
0x41: {  	[hbm4b:s7+s18] =	stream.strided.scatter [tilespmem:s8], [sflag:$0xC], $0x2000, s9, s18, $0x38;
	[tilespmem:$0x16400] =	vst v63  }
0x42: {  	_ =	swait.ge @!p0 [sflag:s2], $0x2000  }
0x43: {  	s1 =	simm.s32 @!p0 $0x400;
	[sflag:s2] =	ssyncset.done @!p0 $0x0  }
0x44: {  	s8 =	simm.s32 @!p0 $0x80;
	[sflag:s2] =	ssyncadd.s32 @!p0 $0xFFFFE000;
	s2 =	simm.s32 @!p0 $0x6400  }
0x45: {  	[tilespmem:s2], [sflag:$0x1] =	stream.indirect.gather @!p0 [hbm4b:s3+s8], $0x40, s1, s8, $0xb8;
	[tilespmem:$0x16400] =	vst v63  }
0x46: {  	_ =	swait.ge [sflag:s25], $0x2000  }
0x47: {  	s10 =	rddreg [dreg:$0x5];
	[sflag:s25] =	ssyncset.done $0x0  }
0x48: {  	s2 =	simm.s32 @!p0 $0xA;
	[sflag:s25] =	ssyncadd.s32 $0xFFFFE000;
	s1 =	sadd.s32 s4, s10  }
0x49: {  	[hbm4b:s1+s18] =	stream.strided.scatter [tilespmem:s16], [sflag:$0xD], $0x2000, s9, s18, $0x38;
	[tilespmem:$0x16400] =	vst v63  }
0x4a: {  	_ =	swait.ge @!p0 [sflag:s2], $0x2000  }
0x4b: {  	[sflag:s2] =	ssyncset.done @!p0 $0x0  }
0x4c: {  	s1 =	simm.s32 @!p0 $0x480;
	[sflag:s2] =	ssyncadd.s32 @!p0 $0xFFFFE000;
	s2 =	simm.s32 @!p0 $0x8400  }
0x4d: {  	[tilespmem:s2], [sflag:$0x2] =	stream.indirect.gather @!p0 [hbm4b:s3+s8], $0x40, s1, s8, $0xb8;
	[tilespmem:$0x16400] =	vst v63  }
0x4e: {  	_ =	swait.ge [sflag:s26], $0x2000  }
0x4f: {  	[sflag:s26] =	ssyncset.done $0x0  }
0x50: {  	s12 =	sadd.s32 $0x2800, s0;
	s2 =	simm.s32 @!p0 $0xB;
	[sflag:s26] =	ssyncadd.s32 $0xFFFFE000  }
0x51: {  	[hbm4b:s12+s18] =	stream.strided.scatter [tilespmem:s19], [sflag:$0xE], $0x2000, s9, s18, $0x38;
	[tilespmem:$0x16400] =	vst v63  }
0x52: {  	_ =	swait.ge @!p0 [sflag:s2], $0x2000  }
0x53: {  	[sflag:s2] =	ssyncset.done @!p0 $0x0  }
0x54: {  	s1 =	simm.s32 @!p0 $0x500;
	[sflag:s2] =	ssyncadd.s32 @!p0 $0xFFFFE000;
	s2 =	simm.s32 @!p0 $0xA400  }
0x55: {  	[tilespmem:s2], [sflag:$0x3] =	stream.indirect.gather @!p0 [hbm4b:s3+s8], $0x40, s1, s8, $0xb8;
	[tilespmem:$0x16400] =	vst v63  }
0x56: {  	_ =	swait.ge [sflag:s28], $0x2000  }
0x57: {  	s14 =	rddreg [dreg:$0x4];
	[sflag:s28] =	ssyncset.done $0x0  }
0x58: {  	s2 =	simm.s32 @!p0 $0xC;
	[sflag:s28] =	ssyncadd.s32 $0xFFFFE000;
	s1 =	sadd.s32 s4, s14  }
0x59: {  	[hbm4b:s1+s18] =	stream.strided.scatter [tilespmem:s21], [sflag:$0xF], $0x2000, s9, s18, $0x38;
	[tilespmem:$0x16400] =	vst v63  }
0x5a: {  	s30 =	simm.s32 $0x1000;
	_ =	swait.ge @!p0 [sflag:s2], $0x2000  }
0x5b: {  	s31 =	simm.s32 $0x2000;
	p1 =	por $0x0, $0x0;
	[sflag:s2] =	ssyncset.done @!p0 $0x0  }
0x5c: {  	s1 =	simm.s32 @!p0 $0x580;
	[sflag:s2] =	ssyncadd.s32 @!p0 $0xFFFFE000;
	s2 =	simm.s32 @!p0 $0xC400  }
0x5d: {  	[tilespmem:s2], [sflag:$0x4] =	stream.indirect.gather @!p0 [hbm4b:s3+s8], $0x40, s1, s8, $0xb8;
	[tilespmem:$0x16400] =	vst v63  }
0x5e: {  	s0 =	sadd.s32 $0x3800, s0;
	s8 =	sadd.s32 $0x4000, s4;
	_ =	swait.ge [sflag:s29], $0x2000  }
.LBB2_2:
0x5f: {  	[sflag:s29] =	ssyncset.done $0x0  }
0x60: {  	s2 =	simm.s32 @!p1 $0xD;
	[sflag:s29] =	ssyncadd.s32 $0xFFFFE000  }
0x61: {  	[hbm4b:s0+s18] =	stream.strided.scatter [tilespmem:s23], [sflag:$0x10], $0x2000, s9, s18, $0x38;
	[tilespmem:$0x16400] =	vst v63  }
0x62: {  	_ =	swait.ge @!p1 [sflag:s2], $0x2000  }
0x63: {  	s14 =	sshra.s32 s30, $0x2;
	[sflag:s2] =	ssyncset.done @!p1 $0x0  }
0x64: {  	s4 =	sadd.s32 $0x200, s14;
	[sflag:s2] =	ssyncadd.s32 @!p1 $0xFFFFE000  }
0x65: {  	[tilespmem:s16], [sflag:$0x5] =	stream.indirect.gather [hbm4b:s3+s9], $0x40, s4, s9, $0xb8;
	[tilespmem:$0x16400] =	vst v63  }
0x66: {  	_ =	swait.ge [sflag:s17], $0x2000  }
0x67: {  	s6 =	rddreg [dreg:$0x6];
	[sflag:s17] =	ssyncset.done $0x0  }
0x68: {  	s2 =	simm.s32 @!p1 $0xE;
	[sflag:s17] =	ssyncadd.s32 $0xFFFFE000;
	s0 =	sadd.s32 s8, s6  }
0x69: {  	[hbm4b:s0+s18] =	stream.strided.scatter [tilespmem:s11], [sflag:$0x9], $0x2000, s9, s18, $0x38;
	[tilespmem:$0x16400] =	vst v63  }
0x6a: {  	_ =	swait.ge @!p1 [sflag:s2], $0x2000  }
0x6b: {  	[sflag:s2] =	ssyncset.done @!p1 $0x0  }
0x6c: {  	s7 =	sadd.s32 $0x280, s14;
	[sflag:s2] =	ssyncadd.s32 @!p1 $0xFFFFE000  }
0x6d: {  	[tilespmem:s19], [sflag:$0x6] =	stream.indirect.gather [hbm4b:s3+s9], $0x40, s7, s9, $0xb8;
	[tilespmem:$0x16400] =	vst v63  }
0x6e: {  	_ =	swait.ge [sflag:s20], $0x2000  }
0x6f: {  	s12 =	sadd.s32 s8, s5;
	[sflag:s20] =	ssyncset.done $0x0  }
0x70: {  	s10 =	sadd.s32 $0x800, s12;
	s6 =	simm.s32 @!p1 $0xF;
	[sflag:s20] =	ssyncadd.s32 $0xFFFFE000  }
0x71: {  	[hbm4b:s10+s18] =	stream.strided.scatter [tilespmem:s13], [sflag:$0xA], $0x2000, s9, s18, $0x38;
	[tilespmem:$0x16400] =	vst v63  }
0x72: {  	_ =	swait.ge @!p1 [sflag:s6], $0x2000  }
0x73: {  	[sflag:s6] =	ssyncset.done @!p1 $0x0  }
0x74: {  	s4 =	sadd.s32 $0x300, s14;
	[sflag:s6] =	ssyncadd.s32 @!p1 $0xFFFFE000  }
0x75: {  	[tilespmem:s21], [sflag:$0x7] =	stream.indirect.gather [hbm4b:s3+s9], $0x40, s4, s9, $0xb8;
	[tilespmem:$0x16400] =	vst v63  }
0x76: {  	_ =	swait.ge [sflag:s22], $0x2000  }
0x77: {  	s7 =	rddreg [dreg:$0x3];
	[sflag:s22] =	ssyncset.done $0x0  }
0x78: {  	s6 =	simm.s32 @!p1 $0x10;
	[sflag:s22] =	ssyncadd.s32 $0xFFFFE000;
	s2 =	sadd.s32 s8, s7  }
0x79: {  	[hbm4b:s2+s18] =	stream.strided.scatter [tilespmem:s15], [sflag:$0xB], $0x2000, s9, s18, $0x38;
	[tilespmem:$0x16400] =	vst v63  }
0x7a: {  	_ =	swait.ge @!p1 [sflag:s6], $0x2000  }
0x7b: {  	[sflag:s6] =	ssyncset.done @!p1 $0x0  }
0x7c: {  	s10 =	sadd.s32 $0x380, s14;
	[sflag:s6] =	ssyncadd.s32 @!p1 $0xFFFFE000  }
0x7d: {  	[tilespmem:s23], [sflag:$0x8] =	stream.indirect.gather [hbm4b:s3+s9], $0x40, s10, s9, $0xb8;
	[tilespmem:$0x16400] =	vst v63  }
0x7e: {  	_ =	swait.ge [sflag:s24], $0x2000  }
0x7f: {  	s14 =	sadd.s32 $0x1800, s12;
	p1 =	seq.s32 s30, $0x18000;
	[sflag:s24] =	ssyncset.done $0x0  }
0x80: {  	s4 =	simm.s32 $0xC400;
	s6 =	simm.s32 @!p1 $0x9;
	[sflag:s24] =	ssyncadd.s32 $0xFFFFE000  }
0x81: {  	[hbm4b:s14+s18] =	stream.strided.scatter [tilespmem:s4], [sflag:$0xC], $0x2000, s9, s18, $0x38;
	[tilespmem:$0x16400] =	vst v63  }
0x82: {  	s1 =	smov.u32 s31;
	s30 =	sshra.s32 @!p1 s30, $0x2;
	_ =	swait.ge @!p1 [sflag:s6], $0x2000  }
0x83: {  	s7 =	sadd.s32 @!p1 $0x480, s30;
	s4 =	sadd.s32 @!p1 $0x400, s30;
	[sflag:s6] =	ssyncset.done @!p1 $0x0  }
0x84: {  	s14 =	simm.s32 @!p1 $0x80;
	[sflag:s6] =	ssyncadd.s32 @!p1 $0xFFFFE000;
	s6 =	simm.s32 @!p1 $0x6400  }
0x85: {  	[tilespmem:s6], [sflag:$0x1] =	stream.indirect.gather @!p1 [hbm4b:s3+s14], $0x40, s4, s14, $0xb8;
	[tilespmem:$0x16400] =	vst v63  }
0x86: {  	s10 =	sadd.s32 @!p1 $0x500, s30;
	s2 =	sadd.s32 @!p1 $0x580, s30;
	_ =	swait.ge [sflag:s25], $0x2000  }
0x87: {  	s30 =	smov.u32 s1;
	s6 =	rddreg [dreg:$0x5];
	[sflag:s25] =	ssyncset.done $0x0  }
0x88: {  	s4 =	simm.s32 @!p1 $0xA;
	[sflag:s25] =	ssyncadd.s32 $0xFFFFE000;
	s1 =	sadd.s32 s8, s6  }
0x89: {  	[hbm4b:s1+s18] =	stream.strided.scatter [tilespmem:s16], [sflag:$0xD], $0x2000, s9, s18, $0x38;
	[tilespmem:$0x16400] =	vst v63  }
0x8a: {  	_ =	swait.ge @!p1 [sflag:s4], $0x2000  }
0x8b: {  	[sflag:s4] =	ssyncset.done @!p1 $0x0  }
0x8c: {  	s1 =	simm.s32 @!p1 $0x8400;
	[sflag:s4] =	ssyncadd.s32 @!p1 $0xFFFFE000  }
0x8d: {  	[tilespmem:s1], [sflag:$0x2] =	stream.indirect.gather @!p1 [hbm4b:s3+s14], $0x40, s7, s14, $0xb8;
	[tilespmem:$0x16400] =	vst v63  }
0x8e: {  	_ =	swait.ge [sflag:s26], $0x2000  }
0x8f: {  	[sflag:s26] =	ssyncset.done $0x0  }
0x90: {  	s4 =	simm.s32 @!p1 $0xB;
	s7 =	sadd.s32 $0x2800, s12;
	[sflag:s26] =	ssyncadd.s32 $0xFFFFE000  }
0x91: {  	[hbm4b:s7+s18] =	stream.strided.scatter [tilespmem:s19], [sflag:$0xE], $0x2000, s9, s18, $0x38;
	[tilespmem:$0x16400] =	vst v63  }
0x92: {  	_ =	swait.ge @!p1 [sflag:s4], $0x2000  }
0x93: {  	[sflag:s4] =	ssyncset.done @!p1 $0x0  }
0x94: {  	s31 =	sadd.s32 $0x1000, s31;
	s1 =	simm.s32 @!p1 $0xA400;
	[sflag:s4] =	ssyncadd.s32 @!p1 $0xFFFFE000  }
0x95: {  	[tilespmem:s1], [sflag:$0x3] =	stream.indirect.gather @!p1 [hbm4b:s3+s14], $0x40, s10, s14, $0xb8;
	[tilespmem:$0x16400] =	vst v63  }
0x96: {  	p0 =	sne.s32 s31, $0x19000;
	_ =	swait.ge [sflag:s28], $0x2000  }
0x97: {  	s0 =	sadd.s32 $0x3800, s12;
	s12 =	rddreg [dreg:$0x4];
	[sflag:s28] =	ssyncset.done $0x0  }
0x98: {  	s4 =	simm.s32 @!p1 $0xC;
	[sflag:s28] =	ssyncadd.s32 $0xFFFFE000;
	s1 =	sadd.s32 s8, s12  }
0x99: {  	[hbm4b:s1+s18] =	stream.strided.scatter [tilespmem:s21], [sflag:$0xF], $0x2000, s9, s18, $0x38;
	[tilespmem:$0x16400] =	vst v63  }
.Ltmp0:
0x9a: {  	_ =	swait.ge @!p1 [sflag:s4], $0x2000;
	(pc) =	sbr.rel @p0 .LBB2_2-.Ltmp0, $4  }
0x9b: {  	[sflag:s4] =	ssyncset.done @!p1 $0x0  }
0x9c: {  	s1 =	simm.s32 @!p1 $0xC400;
	[sflag:s4] =	ssyncadd.s32 @!p1 $0xFFFFE000  }
0x9d: {  	[tilespmem:s1], [sflag:$0x4] =	stream.indirect.gather @!p1 [hbm4b:s3+s14], $0x40, s2, s14, $0xb8;
	[tilespmem:$0x16400] =	vst v63  }
0x9e: {  	s8 =	sadd.s32 $0x4000, s8;
	p1 =	seq.s32 s30, $0x0;
	_ =	swait.ge [sflag:s29], $0x2000  }
0x9f: {  	[sflag:s29] =	ssyncset.done $0x0  }
0xa0: {  	s1 =	simm.s32 @!p1 $0xD;
	[sflag:s29] =	ssyncadd.s32 $0xFFFFE000  }
0xa1: {  	[hbm4b:s0+s18] =	stream.strided.scatter [tilespmem:s23], [sflag:$0x10], $0x2000, s9, s18, $0x38;
	[tilespmem:$0x16400] =	vst v63  }
0xa2: {  	_ =	swait.ge @!p1 [sflag:s1], $0x2000  }
0xa3: {  	s2 =	sshra.s32 s30, $0x2;
	[sflag:s1] =	ssyncset.done @!p1 $0x0  }
0xa4: {  	s7 =	sadd.s32 $0x200, s2;
	[sflag:s1] =	ssyncadd.s32 @!p1 $0xFFFFE000  }
0xa5: {  	[tilespmem:s16], [sflag:$0x5] =	stream.indirect.gather [hbm4b:s3+s9], $0x40, s7, s9, $0xb8;
	[tilespmem:$0x16400] =	vst v63  }
0xa6: {  	_ =	swait.ge [sflag:s17], $0x2000  }
0xa7: {  	s10 =	rddreg [dreg:$0x6];
	[sflag:s17] =	ssyncset.done $0x0  }
0xa8: {  	s1 =	simm.s32 @!p1 $0xE;
	[sflag:s17] =	ssyncadd.s32 $0xFFFFE000;
	s0 =	sadd.s32 s8, s10  }
0xa9: {  	[hbm4b:s0+s18] =	stream.strided.scatter [tilespmem:s11], [sflag:$0x9], $0x2000, s9, s18, $0x38;
	[tilespmem:$0x16400] =	vst v63  }
0xaa: {  	_ =	swait.ge @!p1 [sflag:s1], $0x2000  }
0xab: {  	[sflag:s1] =	ssyncset.done @!p1 $0x0  }
0xac: {  	s12 =	sadd.s32 $0x280, s2;
	[sflag:s1] =	ssyncadd.s32 @!p1 $0xFFFFE000  }
0xad: {  	[tilespmem:s19], [sflag:$0x6] =	stream.indirect.gather [hbm4b:s3+s9], $0x40, s12, s9, $0xb8;
	[tilespmem:$0x16400] =	vst v63  }
0xae: {  	_ =	swait.ge [sflag:s20], $0x2000  }
0xaf: {  	s0 =	sadd.s32 s8, s5;
	[sflag:s20] =	ssyncset.done $0x0  }
0xb0: {  	s4 =	simm.s32 @!p1 $0xF;
	s14 =	sadd.s32 $0x800, s0;
	[sflag:s20] =	ssyncadd.s32 $0xFFFFE000  }
0xb1: {  	[hbm4b:s14+s18] =	stream.strided.scatter [tilespmem:s13], [sflag:$0xA], $0x2000, s9, s18, $0x38;
	[tilespmem:$0x16400] =	vst v63  }
0xb2: {  	_ =	swait.ge @!p1 [sflag:s4], $0x2000  }
0xb3: {  	[sflag:s4] =	ssyncset.done @!p1 $0x0  }
0xb4: {  	s31 =	sadd.s32 $0x300, s2;
	[sflag:s4] =	ssyncadd.s32 @!p1 $0xFFFFE000  }
0xb5: {  	[tilespmem:s21], [sflag:$0x7] =	stream.indirect.gather [hbm4b:s3+s9], $0x40, s31, s9, $0xb8;
	[tilespmem:$0x16400] =	vst v63  }
0xb6: {  	_ =	swait.ge [sflag:s22], $0x2000  }
0xb7: {  	s6 =	rddreg [dreg:$0x3];
	[sflag:s22] =	ssyncset.done $0x0  }
0xb8: {  	s4 =	simm.s32 @!p1 $0x10;
	[sflag:s22] =	ssyncadd.s32 $0xFFFFE000;
	s1 =	sadd.s32 s8, s6  }
0xb9: {  	[hbm4b:s1+s18] =	stream.strided.scatter [tilespmem:s15], [sflag:$0xB], $0x2000, s9, s18, $0x38;
	[tilespmem:$0x16400] =	vst v63  }
0xba: {  	_ =	swait.ge @!p1 [sflag:s4], $0x2000  }
0xbb: {  	[sflag:s4] =	ssyncset.done @!p1 $0x0  }
0xbc: {  	s7 =	sadd.s32 $0x380, s2;
	[sflag:s4] =	ssyncadd.s32 @!p1 $0xFFFFE000  }
0xbd: {  	[tilespmem:s23], [sflag:$0x8] =	stream.indirect.gather [hbm4b:s3+s9], $0x40, s7, s9, $0xb8;
	[tilespmem:$0x16400] =	vst v63  }
0xbe: {  	p0 =	seq.s32 s30, $0x18000;
	_ =	swait.ge [sflag:s24], $0x2000  }
0xbf: {  	s2 =	simm.s32 @!p0 $0x9;
	[sflag:s24] =	ssyncset.done $0x0  }
0xc0: {  	s10 =	sadd.s32 $0x1800, s0;
	s12 =	simm.s32 $0xC400;
	[sflag:s24] =	ssyncadd.s32 $0xFFFFE000  }
0xc1: {  	[hbm4b:s10+s18] =	stream.strided.scatter [tilespmem:s12], [sflag:$0xC], $0x2000, s9, s18, $0x38;
	[tilespmem:$0x16400] =	vst v63  }
0xc2: {  	_ =	swait.ge @!p0 [sflag:s2], $0x2000  }
0xc3: {  	s6 =	simm.s32 @!p0 $0x80;
	s1 =	sshra.s32 @!p0 s30, $0x2;
	[sflag:s2] =	ssyncset.done @!p0 $0x0  }
0xc4: {  	s4 =	sadd.s32 @!p0 $0x400, s1;
	[sflag:s2] =	ssyncadd.s32 @!p0 $0xFFFFE000;
	s2 =	simm.s32 @!p0 $0x6400  }
0xc5: {  	[tilespmem:s2], [sflag:$0x1] =	stream.indirect.gather @!p0 [hbm4b:s3+s6], $0x40, s4, s6, $0xb8;
	[tilespmem:$0x16400] =	vst v63  }
0xc6: {  	_ =	swait.ge [sflag:s25], $0x2000  }
0xc7: {  	s14 =	rddreg [dreg:$0x5];
	[sflag:s25] =	ssyncset.done $0x0  }
0xc8: {  	s4 =	simm.s32 @!p0 $0xA;
	[sflag:s25] =	ssyncadd.s32 $0xFFFFE000;
	s2 =	sadd.s32 s8, s14  }
0xc9: {  	[hbm4b:s2+s18] =	stream.strided.scatter [tilespmem:s16], [sflag:$0xD], $0x2000, s9, s18, $0x38;
	[tilespmem:$0x16400] =	vst v63  }
0xca: {  	_ =	swait.ge @!p0 [sflag:s4], $0x2000  }
0xcb: {  	[sflag:s4] =	ssyncset.done @!p0 $0x0  }
0xcc: {  	s2 =	sadd.s32 @!p0 $0x480, s1;
	[sflag:s4] =	ssyncadd.s32 @!p0 $0xFFFFE000;
	s4 =	simm.s32 @!p0 $0x8400  }
0xcd: {  	[tilespmem:s4], [sflag:$0x2] =	stream.indirect.gather @!p0 [hbm4b:s3+s6], $0x40, s2, s6, $0xb8;
	[tilespmem:$0x16400] =	vst v63  }
0xce: {  	_ =	swait.ge [sflag:s26], $0x2000  }
0xcf: {  	[sflag:s26] =	ssyncset.done $0x0  }
0xd0: {  	s30 =	sadd.s32 $0x2800, s0;
	s4 =	simm.s32 @!p0 $0xB;
	[sflag:s26] =	ssyncadd.s32 $0xFFFFE000  }
0xd1: {  	[hbm4b:s30+s18] =	stream.strided.scatter [tilespmem:s19], [sflag:$0xE], $0x2000, s9, s18, $0x38;
	[tilespmem:$0x16400] =	vst v63  }
0xd2: {  	_ =	swait.ge @!p0 [sflag:s4], $0x2000  }
0xd3: {  	[sflag:s4] =	ssyncset.done @!p0 $0x0  }
0xd4: {  	s2 =	sadd.s32 @!p0 $0x500, s1;
	[sflag:s4] =	ssyncadd.s32 @!p0 $0xFFFFE000;
	s4 =	simm.s32 @!p0 $0xA400  }
0xd5: {  	[tilespmem:s4], [sflag:$0x3] =	stream.indirect.gather @!p0 [hbm4b:s3+s6], $0x40, s2, s6, $0xb8;
	[tilespmem:$0x16400] =	vst v63  }
0xd6: {  	_ =	swait.ge [sflag:s28], $0x2000  }
0xd7: {  	s31 =	rddreg [dreg:$0x4];
	[sflag:s28] =	ssyncset.done $0x0  }
0xd8: {  	s2 =	sadd.s32 s8, s31;
	[sflag:s28] =	ssyncadd.s32 $0xFFFFE000  }
0xd9: {  	[hbm4b:s2+s18] =	stream.strided.scatter [tilespmem:s21], [sflag:$0xF], $0x2000, s9, s18, $0x38;
	[tilespmem:$0x16400] =	vst v63  }
0xda: {  	s2 =	simm.s32 @!p0 $0xC  }
0xdb: {  	_ =	swait.ge @!p0 [sflag:s2], $0x2000  }
0xdc: {  	[sflag:s2] =	ssyncset.done @!p0 $0x0  }
0xdd: {  	s1 =	sadd.s32 @!p0 $0x580, s1;
	[sflag:s2] =	ssyncadd.s32 @!p0 $0xFFFFE000;
	s2 =	simm.s32 @!p0 $0xC400  }
0xde: {  	[tilespmem:s2], [sflag:$0x4] =	stream.indirect.gather @!p0 [hbm4b:s3+s6], $0x40, s1, s6, $0xb8;
	[tilespmem:$0x16400] =	vst v63  }
0xdf: {  	_ =	swait.ge [sflag:s29], $0x2000  }
0xe0: {  	[sflag:s29] =	ssyncset.done $0x0  }
0xe1: {  	s0 =	sadd.s32 $0x3800, s0;
	s2 =	simm.s32 $0x9;
	[sflag:s29] =	ssyncadd.s32 $0xFFFFE000  }
0xe2: {  	[hbm4b:s0+s18] =	stream.strided.scatter [tilespmem:s23], [sflag:$0x10], $0x2000, s9, s18, $0x38;
	[tilespmem:$0x16400] =	vst v63  }
0xe3: {  	_ =	swait.ge [sflag:s2], $0x2000  }
0xe4: {  	[sflag:s2] =	ssyncset.done $0x0  }
0xe5: {  	s4 =	simm.s32 $0xA;
	[sflag:s2] =	ssyncadd.s32 $0xFFFFE000  }
0xe6: {  	_ =	swait.ge [sflag:s4], $0x2000  }
0xe7: {  	[sflag:s4] =	ssyncset.done $0x0  }
0xe8: {  	s6 =	simm.s32 $0xB;
	[sflag:s4] =	ssyncadd.s32 $0xFFFFE000  }
0xe9: {  	_ =	swait.ge [sflag:s6], $0x2000  }
0xea: {  	[sflag:s6] =	ssyncset.done $0x0  }
0xeb: {  	s7 =	simm.s32 $0xC;
	[sflag:s6] =	ssyncadd.s32 $0xFFFFE000  }
0xec: {  	_ =	swait.ge [sflag:s7], $0x2000  }
0xed: {  	[sflag:s7] =	ssyncset.done $0x0  }
0xee: {  	s8 =	simm.s32 $0xD;
	[sflag:s7] =	ssyncadd.s32 $0xFFFFE000  }
0xef: {  	_ =	swait.ge [sflag:s8], $0x2000  }
0xf0: {  	[sflag:s8] =	ssyncset.done $0x0  }
0xf1: {  	s10 =	simm.s32 $0xE;
	[sflag:s8] =	ssyncadd.s32 $0xFFFFE000  }
0xf2: {  	_ =	swait.ge [sflag:s10], $0x2000  }
0xf3: {  	[sflag:s10] =	ssyncset.done $0x0  }
0xf4: {  	s12 =	simm.s32 $0xF;
	[sflag:s10] =	ssyncadd.s32 $0xFFFFE000  }
0xf5: {  	_ =	swait.ge [sflag:s12], $0x2000  }
0xf6: {  	[sflag:s12] =	ssyncset.done $0x0  }
0xf7: {  	s14 =	simm.s32 $0x10;
	[sflag:s12] =	ssyncadd.s32 $0xFFFFE000  }
0xf8: {  	_ =	swait.ge [sflag:s14], $0x2000  }
0xf9: {  	s30 =	rddreg [dreg:$0xa]  }
0xfa: {  	s31 =	rddreg [dreg:$0x9];
	s2 =	sadd.s32 $0x1, s30  }
0xfb: {  	p0 =	sne.s32 s2, s31  }
.Ltmp1:
0xfc: {  	_ = 	snop;
	(pc) =	sbr.rel @p0 .LBB2_1-.Ltmp1, $3  }
0xfd: {  	_ =	sdelay $0x1  }
0xfe: {  	[sflag:s14] =	ssyncset.done $0x0  }
0xff: {  	[sflag:s14] =	ssyncadd.s32 $0xFFFFE000  }
0x100: {  	_ =	sfence.sel $0x180000  }
0x101: {  	[bflag:$0x0] =	sbarrier.arrive $0xFFFF  }
0x102: {  	_ =	strace $0x9000004A  }
0x103: {  	s0 =	stileid.u32;
	[bflag:$0x2] =	sbarrier.arrive $0xFFFF  }
0x104: {  	p0 =	sne.s32 s0, $0x0;
	s0 =	rddreg [dreg:$0x2]  }
0x105: {  	s0 =	sadd.s32 @!p0 $0x100000, s0  }
0x106: {  	[sflag:s0] =	ssyncadd.tile.s32 @!p0 $0x1;
	_ =	shalt  }
.Lfunc_end2:
_tile_overlayer_lowered:
.L_overlay_start_2:
0x107: {  	(tag) =	ssettag $0x2  }
0x108: {  	s0 =	rddreg [dreg:$0x0];
	s2 =	stileid.u32  }
0x109: {  	s1 =	rddreg [dreg:$0x1];
	p0 =	sne.s32 s2, $0x0  }
0x10a: {  	s3 =	rddreg [dreg:$0x2];
	[bflag:$0x3] =	sbarrier.arrive $0xFFFF;
	s2 =	simm.s32 @!p0 $0x1C11  }
0x10b: {  	[timem:s3], [sflag:s2] =	dma.local @!p0 [hbm:s0], s1  }
0x10c: {  	s0 =	simm.s32 @!p0 $0x11  }
0x10d: {  	_ =	swait.ge @!p0 [sflag:s0], s1  }
0x10e: {  	s1 =	ssub.s32 @!p0 $0x0, s1;
	[sflag:s0] =	ssyncset.done @!p0 $0x0  }
0x10f: {  	[sflag:s0] =	ssyncadd.s32 @!p0 s1  }
0x110: {  	[bflag:$0x3] =	sbarrier.arrive $0xFFFF  }
0x111: {  	_ =	shalt  }

// kernel: sparse-core-data-format-call.1.cloned.1.call-start
scs
called_computation.1_lowered:
.L_overlay_start_0:
0x0: {  	s2 =	sld [smem:$0x3FD9]  }
0x1: {  	s3 =	sld [smem:$0x3FFE];
	_ =	sdelay $0x1  }
0x2: {  	s1 =	srdreg.scid  }
0x3: {  	s0 =	sand.u32 $0x1, s1  }
0x4: {  	s18 =	sshll.u32 s0, $0xA;
	s2 =	sadd.s32 s3, s2  }
0x5: {  	s2 =	sadd.s32 s2, s18  }
0x6: {  	[smem:$0x3FC6] =	sst s2  }
0x7: {  	_ = 	snop  }
0x8: {  	s2 =	sld [smem:$0x3FC8];
	(tm) =	ssettm $0x1  }
0x9: {  	s19 =	sld [smem:$0x3FFB];
	_ =	sdelay $0x3  }
0xa: {  	_ =	strace s19  }
0xb: {  	s3 =	sld [smem:$0x3FFC];
	_ =	sdelay $0x3  }
0xc: {  	_ =	strace s3  }
0xd: {  	s3 =	sld [smem:$0x3FFD];
	_ =	sdelay $0x3  }
0xe: {  	_ =	strace s3  }
0xf: {  	_ =	strace $0x8FFFFFFF  }
0x10: {  	s20 =	sld [smem:$0x3FDB];
	_ =	sdelay $0x1  }
0x11: {  	s4 =	simm.s32 $_scs_section_size  }
0x12: {  	s5 =	simm.s32 $_size__tile_overlayer_lowered;
	s6 =	simm.s32 $_tile_overlayer_lowered  }
0x13: {  	s23 =	simm.s32 $0x1BFF;
	s22 =	sshll.u32 s6, $0x1;
	s3 =	sadd.s32 s4, s20  }
0x14: {  	s7 =	simm.s32 $0x0;
	s21 =	sshll.u32 s5, $0x1;
	s5 =	sadd.s32 s22, s3  }
0x15: {  	[timem:s7], [sflag:s23] =	dma.local [hbm:s5], s21  }
0x16: {  	_ =	swait.ge [sflag:s23], s21  }
0x17: {  	s4 =	ssub.s32 $0x0, s21;
	[sflag:s23] =	ssyncset.done $0x0  }
0x18: {  	[sflag:s23] =	ssyncadd.s32 s4;
	_ =	sdelay $0x1  }
0x19: {  	s24 =	simm.s32 $0x1B8B  }
0x1a: {  	_ =	swait.ge [sflag:s24], $0x1  }
0x1b: {  	[sflag:s24] =	ssyncset.done $0x0  }
0x1c: {  	s26 =	simm.s32 $0x1B8E;
	s25 =	sld [smem:$0x3FFE];
	[sflag:s24] =	ssyncadd.s32 $0xFFFFFFFF  }
0x1d: {  	s27 =	simm.s32 $execute0_lowered;
	[smem:$0x3FD2] =	sst s26  }
0x1e: {  	s5 =	sshll.u32 s27, $0x1;
	_ =	strace $0x80000046;
	[dreg:$0x1] =	wrdreg $0xFFFFFFFF  }
0x1f: {  	s28 =	simm.s32 $_size_execute0_lowered;
	s3 =	sadd.s32 s3, s5;
	[dreg:$0x0] =	wrdreg $0x0  }
0x20: {  	s5 =	sshll.u32 s28, $0x1;
	[dreg:$0x2] =	wrdreg s3  }
0x21: {  	[dreg:$0x3] =	wrdreg s5  }
0x22: {  	[dreg:$0x4] =	wrdreg $0xC0  }
0x23: {  	_ =	task [dreg:s7], $0x5FFFF  }
0x24: {  	[dreg:$0x1] =	wrdreg $0xFFFFFFFF  }
0x25: {  	[dreg:$0x0] =	wrdreg $0x60  }
0x26: {  	[dreg:$0x2] =	wrdreg s2  }
0x27: {  	[dreg:$0x3] =	wrdreg s25  }
0x28: {  	[dreg:$0x4] =	wrdreg $0x9  }
0x29: {  	_ =	task.clear_ibuf [dreg:s7], $0x5FFFF;
	_ =	strace $0x90000046  }
0x2a: {  	s29 =	simm.s32 $0x9;
	_ =	strace $0x80000048  }
0x2b: {  	_ =	swait.ge [sflag:s29], $0x1  }
0x2c: {  	[sflag:s29] =	ssyncadd.s32 $0xFFFFFFFF  }
0x2d: {  	_ =	strace $0x90000048  }
0x2e: {  	_ =	sfence  }
0x2f: {  	s30 =	sld [smem:$0x0];
	_ =	sdelay $0x2  }
0x30: {  	s31 =	sshll.u32 s1, $0xD;
	s1 =	sshrl.u32 s1, $0x2  }
0x31: {  	s3 =	sand.u32 $0x4000, s31;
	s1 =	sadd.s32 s1, s30  }
0x32: {  	s0 =	sor.u32 s3, s0;
	s1 =	sshll.u32 s1, $0x11  }
0x33: {  	s0 =	sor.u32 s1, s0  }
0x34: {  	s0 =	sadd.s32 $0x8F2B, s0  }
0x35: {  	[sflag:s0] =	ssyncadd.remote.s32 $0x1  }
0x36: {  	_ =	sfence.sel $0xFFFF  }
0x37: {  	[dreg:$0x0] =	wrdreg $0xFFFFFFFF;
	(pc) =	sbr.abs _section_cstart, $3  }
0x38: {  	[dreg:$0x1] =	wrdreg $0xFFFFFFFF  }
0x39: {  	_ =	task.clear_ibuf [dreg:s7], $0x2FFFF;
	_ =	strace $0x9FFFFFFF  }
0x3a: {  	(tm) =	ssettm $0x7FFFFFFF  }
0x3b: {  	_ =	shalt  }
tec
execute0_lowered:
.L_overlay_start_1:
0x0: {  	(tag) =	ssettag $0x1  }
0x1: {  	s0 =	srdreg.scid;
	s2 =	rddreg [dreg:$0x0]  }
0x2: {  	s5 =	rddreg [dreg:$0x1];
	s1 =	stileid.u32  }
0x3: {  	s4 =	simm.s32 $0x1;
	s6 =	simm.s32 $0x2;
	s15 =	simm.s32 $0x0  }
0x4: {  	p0 =	por $0x0, $0x0;
	s8 =	simm.s32 $0x80;
	s0 =	sshll.u32 s0, $0x4  }
0x5: {  	s14 =	simm.s32 $0x0;
	s9 =	simm.s32 $0x0;
	s3 =	sand.u32 $0x10, s0  }
.Ltmp0:
0x6: {  	s10 =	simm.s32 $0x0;
	s3 =	sor.u32 s1, s3;
	(pc) =	sbr.rel .LBB1_1-.Ltmp0, $4  }
0x7: {  	s0 =	rddreg [dreg:$0x2];
	_ =	strace $0x80000047;
	s3 =	sshll.u32 s3, $0x7  }
0x8: {  	s12 =	simm.s32 $0x0;
	[sflag:s4] =	ssyncpa.u1 $0x0;
	s7 =	ssub.s32 $0xF4200, s3  }
0x9: {  	s13 =	simm.s32 $0x0;
	[sflag:s6] =	ssyncpa.u1 $0x0;
	s6 =	sshrl.u32 s7, $0xC  }
0xa: {  	s5 =	sadd.s32 $0xE00, s5;
	s11 =	smov.u32 s3;
	s7 =	sadd.s32 $0x2, s6  }
.LBB1_5:
0xb: {  	p1 =	slt.u32 s13, $0x2  }
0xc: {  	s17 =	smov.u32 s15;
	p2 =	sgt.s32 @!p1 s15, $0xF41C0;
	s16 =	sshra.s32 @!p1 s15, $0x1F  }
0xd: {  	p3 =	sgt.s32 @!p1 s14, $0x40;
	s18 =	sshra.s32 @!p1 s14, $0x1F;
	p2 =	por !p2, p1  }
0xe: {  	s15 =	sand.u32 @!p1 s16, s15;
	p3 =	por !p3, p1;
	s16 =	smov.u32 s14  }
0xf: {  	s14 =	sand.u32 @!p1 s18, s14;
	s17 =	simm.s32 @p2 $0xF41C0;
	s16 =	simm.s32 @p3 $0x40  }
0x10: {  	s15 =	ssub.s32 @!p1 s17, s15;
	s14 =	ssub.s32 @!p1 s16, s14  }
0x11: {  	s18 =	smov.u32 s12;
	s16 =	sadd.s32 @!p1 $0xFFF0BE40, s15;
	s17 =	sadd.s32 @!p1 $0xFFFFFFC0, s14  }
0x12: {  	s15 =	ssub.s32 @!p1 $0xF4240, s15;
	p2 =	sgt.s32 @!p1 s16, $0x7F;
	p3 =	sgt.s32 @!p1 s17, $0x3F  }
0x13: {  	s14 =	ssub.s32 @!p1 $0x80, s14;
	p2 =	por !p2, p1;
	p3 =	por !p3, p1  }
0x14: {  	s16 =	sadd.s32 $0x1000, s11;
	s15 =	simm.s32 @!p2 $0x0;
	s14 =	simm.s32 @!p3 $0x0  }
0x15: {  	p2 =	sgt.s32 s16, $0xF423F;
	s14 =	smul.u32 @!p1 s14, s15;
	s15 =	sadd.s32 $0x40, s12  }
0x16: {  	s18 =	smov.u32 @p2 s15  }
0x17: {  	s16 =	smov.u32 @p2 s3;
	p2 =	sgt.s32 s18, $0x3F  }
0x18: {  	s18 =	simm.s32 @p2 $0x0;
	p2 =	sne.s32 s13, s7  }
.Ltmp1:
0x19: {  	p0 =	por !p0, !p0;
	s17 =	simm.s32 @!p1 $0x2;
	(pc) =	sbr.rel @!p2 .LBB1_6-.Ltmp1, $4  }
0x1a: {  	s15 =	smov.u32 s9;
	s9 =	smov.u32 s11;
	s14 =	sand.u32 @!p1 $0x3FFFFFFF, s14  }
0x1b: {  	s11 =	smov.u32 s16;
	_ =	swait.ge @!p1 [sflag:s17], s14;
	s19 =	ssub.s32 @!p1 $0x0, s14  }
0x1c: {  	s14 =	smov.u32 s10;
	s13 =	sadd.s32 $0x1, s13;
	[sflag:s17] =	ssyncset.done @!p1 $0x0  }
0x1d: {  	s10 =	smov.u32 s12;
	s12 =	smov.u32 s18;
	[sflag:s17] =	ssyncadd.s32 @!p1 s19  }
.LBB1_1:
0x1e: {  	p1 =	sgt.u32 s13, s6  }
0x1f: {  	s16 =	sshrl.u32 @!p1 s12, $0x3  }
0x20: {  	s17 =	sshll.u32 @!p1 s11, $0x3;
	s16 =	smul.u32 @!p1 $0x7A1400, s16  }
0x21: {  	s18 =	sshll.u32 @!p1 s12, $0x7;
	s17 =	sand.u32 @!p1 $0xFFFFFC00, s17  }
0x22: {  	s16 =	sadd.s32 @!p1 s16, s17;
	s17 =	sand.u32 @!p1 $0x380, s18  }
0x23: {  	s18 =	sand.u32 @!p1 $0x7F, s11;
	s16 =	sor.u32 @!p1 s17, s16  }
0x24: {  	s17 =	sor.u32 @!p1 s18, s16  }
0x25: {  	s18 =	smulhi.u32 @!p1 $0x218D6287, s17;
	_ =	sdelay $0x1  }
0x26: {  	s16 =	smulhi.u32 @!p1 $0x218D6287, s16;
	s18 =	sshrl.u32 @!p1 s18, $0x11  }
0x27: {  	s18 =	smul.u32 @!p1 $0xF4280, s18  }
0x28: {  	s19 =	sxor.u32 @!p1 $0xFFFFFFFF, s13;
	s16 =	sshrl.u32 @!p1 s16, $0x11  }
0x29: {  	s19 =	sshll.u32 @!p1 s19, $0xD;
	s16 =	sand.u32 @!p1 $0x3F, s16;
	s17 =	ssub.s32 @!p1 s17, s18  }
0x2a: {  	s16 =	smul.u32 @!p1 $0x1E850, s16;
	s18 =	sshrl.u32 @!p1 s17, $0x3;
	s17 =	sand.u32 @!p1 $0x7, s17  }
0x2b: {  	s19 =	sand.u32 @!p1 $0x2000, s19;
	s18 =	sadd.s32 @!p1 s2, s18;
	s17 =	sshll.u32 @!p1 s17, $0x12  }
0x2c: {  	s16 =	sadd.s32 @!p1 s16, s18;
	s17 =	sor.u32 @!p1 $0x400, s17;
	s18 =	simm.s32 @!p1 $0x7A1400  }
0x2d: {  	[tilespmem:s19], [sflag:$0x1] =	stream.strided.gather @!p1 [hbm4b:s16+s17], $0x2000, s18, s17, $0x38;
	[tilespmem:$0x8100] =	vst v63  }
0x2e: {  	p1 =	seq.s32 s13, $0x0  }
0x2f: {  	p2 =	sge.u32 @!p1 s13, s7  }
0x30: {  	p1 =	por p1, p2  }
.Ltmp2:
0x31: {  	_ = 	snop;
	(pc) =	sbr.rel @p1 .LBB1_5-.Ltmp2, $1  }
0x32: {  	_ =	sdelay $0x3  }
0x33: {  	s16 =	simm.s32 $0x1  }
0x34: {  	_ =	swait.ge [sflag:s4], $0x2000;
	s16 =	simm.s32 @!p0 $0x0  }
0x35: {  	[sflag:s4] =	ssyncset.done $0x0;
	s17 =	sshll.u32 s16, $0xD  }
0x36: {  	[sflag:s4] =	ssyncadd.s32 $0xFFFFE000;
	s17 =	sor.u32 $0x40, s17  }
0x37: {  	s16 =	smul.u32 $0x8200, s16;
	v0 =	vld [tilespmem:s17+$0x30]  }
0x38: {  	v1 =	vld [tilespmem:s17+$0xFFFFFFD0]  }
0x39: {  	s16 =	sshrl.u32 s16, $0x2;
	v5 =	vld [tilespmem:s17+$0xFFFFFFE0]  }
0x3a: {  	v6 =	vld [tilespmem:s17+$0xFFFFFFF0];
	s19 =	sor.u32 $0x4000, s16  }
0x3b: {  	s31 =	sand.u32 $0x1, s13;
	v4 =	vld [tilespmem:s17+$0x0];
	s18 =	sadd.s32 $0x0, s19  }
0x3c: {  	v3 =	vld [tilespmem:s17+$0x10];
	s16 =	smul.u32 $0x8200, s31;
	[tilespmem:s18+$0x1C70 ss:$0x41] =	vst.msk $0xffff, v0  }
0x3d: {  	v2 =	vld [tilespmem:s17+$0x20];
	[tilespmem:s18+$0x410 ss:$0x41] =	vst.msk $0xffff, v1  }
0x3e: {  	s16 =	sshrl.u32 s16, $0x2;
	v1 =	vld [tilespmem:s17+$0xFFFFFFC0];
	[tilespmem:s18+$0x820 ss:$0x41] =	vst.msk $0xffff, v5;
	s17 =	sadd.s32 $0x80, s17  }
0x3f: {  	s20 =	simm.s32 $0x4;
	s21 =	simm.s32 $0x8;
	s16 =	sor.u32 $0x4000, s16;
	[tilespmem:s18+$0xC30 ss:$0x41] =	vst.msk $0xffff, v6;
	v0 =	vld [tilespmem:s17+$0x30]  }
.LBB1_3:
0x40: {  	p1 =	sne.s32 s21, $0xFC;
	v5 =	vld [tilespmem:s17+$0xFFFFFFD0];
	[tilespmem:s18+$0x1040 ss:$0x41] =	vst.msk $0xffff, v4  }
0x41: {  	v6 =	vld [tilespmem:s17+$0xFFFFFFE0];
	[tilespmem:s18+$0x1450 ss:$0x41] =	vst.msk $0xffff, v3  }
0x42: {  	s22 =	sshra.s32 s20, $0x2;
	s20 =	smov.u32 s21;
	v7 =	vld [tilespmem:s17+$0xFFFFFFF0];
	[tilespmem:s18+$0x1860 ss:$0x41] =	vst.msk $0xffff, v2  }
.Ltmp3:
0x43: {  	v4 =	vld [tilespmem:s17+$0x0];
	[tilespmem:s18+$0x0 ss:$0x41] =	vst.msk $0xffff, v1;
	s18 =	sadd.s32 s22, s19;
	(pc) =	sbr.rel @p1 .LBB1_3-.Ltmp3, $4  }
0x44: {  	v3 =	vld [tilespmem:s17+$0x10];
	[tilespmem:s18+$0x1C70 ss:$0x41] =	vst.msk $0xffff, v0  }
0x45: {  	[tilespmem:s18+$0x410 ss:$0x41] =	vst.msk $0xffff, v5;
	v2 =	vld [tilespmem:s17+$0x20]  }
0x46: {  	v1 =	vld [tilespmem:s17+$0xFFFFFFC0];
	[tilespmem:s18+$0x820 ss:$0x41] =	vst.msk $0xffff, v6;
	s17 =	sadd.s32 $0x80, s17  }
0x47: {  	s21 =	sadd.s32 $0x4, s21;
	v0 =	vld [tilespmem:s17+$0x30];
	[tilespmem:s18+$0xC30 ss:$0x41] =	vst.msk $0xffff, v7  }
0x48: {  	s21 =	sshll.u32 s9, $0x7;
	s22 =	sshll.u32 s10, $0x3;
	s20 =	sshra.s32 s20, $0x2  }
0x49: {  	p1 =	sgt.s32 s9, $0xF41C0;
	s30 =	sshra.s32 s9, $0x1F;
	s25 =	sshra.s32 s10, $0x1F  }
0x4a: {  	v5 =	vld [tilespmem:s17+$0xFFFFFFD0];
	s28 =	sshrl.u32 s10, $0x3;
	s23 =	sand.u32 $0xFFFFFC00, s21;
	s22 =	sand.u32 $0xFFFFFC00, s22  }
0x4b: {  	[tilespmem:s18+$0x1040 ss:$0x41] =	vst.msk $0xffff, v4;
	v58 =	vld [tilespmem:s17+$0xFFFFFFE0];
	s21 =	sand.u32 $0x380, s21;
	s19 =	sadd.s32 s20, s19;
	s22 =	sadd.s32 s22, s23  }
0x4c: {  	v59 =	vld [tilespmem:s17+$0xFFFFFFF0];
	[tilespmem:s18+$0x1450 ss:$0x41] =	vst.msk $0xffff, v3;
	s29 =	sor.u32 s21, s22;
	s21 =	smov.u32 s9;
	s22 =	sand.u32 s30, s9  }
0x4d: {  	v60 =	vld [tilespmem:s17+$0x0];
	[tilespmem:s18+$0x1860 ss:$0x41] =	vst.msk $0xffff, v2;
	s30 =	sand.u32 $0x7, s10;
	s20 =	sshrl.u32 s29, $0x7;
	s21 =	simm.s32 @!p1 $0xF41C0  }
0x4e: {  	v61 =	vld [tilespmem:s17+$0x10];
	[tilespmem:s18+$0x0 ss:$0x41] =	vst.msk $0xffff, v1;
	p1 =	sgt.s32 s10, $0x40;
	s24 =	ssub.s32 s21, s22;
	s21 =	smov.u32 s10  }
0x4f: {  	v62 =	vld [tilespmem:s17+$0x20];
	[tilespmem:s19+$0x1C70 ss:$0x41] =	vst.msk $0xffff, v0;
	s31 =	smulhi.u32 $0x218DEF5, s20;
	s22 =	sand.u32 s25, s10;
	s21 =	simm.s32 @!p1 $0x40  }
0x50: {  	v63 =	vld [tilespmem:s17+$0xFFFFFFC0];
	[tilespmem:s19+$0x410 ss:$0x41] =	vst.msk $0xffff, v5;
	s26 =	sadd.s32 $0xFFF0BE40, s24;
	s17 =	ssub.s32 $0xF4240, s24;
	s21 =	ssub.s32 s21, s22  }
0x51: {  	[tilespmem:s19+$0x820 ss:$0x41] =	vst.msk $0xffff, v58;
	s23 =	sshrl.u32 s31, $0xD;
	p1 =	sgt.s32 s26, $0x7F;
	s27 =	sadd.s32 $0xFFFFFFC0, s21  }
0x52: {  	[tilespmem:s19+$0xC30 ss:$0x41] =	vst.msk $0xffff, v59;
	s23 =	smul.u32 $0xF4240, s23;
	s18 =	ssub.s32 $0x80, s21;
	p2 =	sgt.s32 s27, $0x3F  }
.Ltmp4:
0x53: {  	[tilespmem:s19+$0x1040 ss:$0x41] =	vst.msk $0xffff, v60;
	s17 =	simm.s32 @p1 $0x0;
	s18 =	simm.s32 @p2 $0x0;
	(pc) =	sbr.rel .LBB1_5-.Ltmp4, $4  }
0x54: {  	s29 =	sand.u32 $0xF, s28;
	[tilespmem:s19+$0x1450 ss:$0x41] =	vst.msk $0xffff, v61;
	s20 =	ssub.s32 s20, s23;
	s17 =	smul.u32 s18, s17  }
0x55: {  	[tilespmem:s19+$0x1860 ss:$0x41] =	vst.msk $0xffff, v62;
	s21 =	sshll.u32 s30, $0x12;
	s20 =	sshll.u32 s20, $0x4;
	s18 =	sadd.s32 s5, s29  }
0x56: {  	[tilespmem:s19+$0x0 ss:$0x41] =	vst.msk $0xffff, v63;
	s31 =	sor.u32 $0x40, s21;
	s18 =	sadd.s32 s20, s18;
	s17 =	sand.u32 $0x3FFFFFFF, s17  }
0x57: {  	[hbm4b:s18+s31] =	stream.strided.scatter [tilespmem:s16], [sflag:$0x2], s17, s8, s31, $0x18;
	[tilespmem:$0x8100] =	vst v63  }
.LBB1_6:
0x58: {  	_ =	sfence.sel $0x180000  }
0x59: {  	s2 =	simm.s32 $0x1;
	[bflag:$0x0] =	sbarrier.arrive $0xFFFF  }
0x5a: {  	s31 =	simm.s32 $0x2;
	[sflag:s2] =	ssyncpa.u1 $0x1  }
0x5b: {  	[sflag:s31] =	ssyncpa.u1 $0x1  }
0x5c: {  	p0 =	sne.s32 s1, $0x0;
	_ =	strace $0x90000047  }
0x5d: {  	s0 =	sadd.s32 @!p0 $0x100000, s0;
	[bflag:$0x2] =	sbarrier.arrive $0xFFFF  }
0x5e: {  	[sflag:s0] =	ssyncadd.tile.s32 @!p0 $0x1;
	_ =	shalt  }
.Lfunc_end1:
_tile_overlayer_lowered:
.L_overlay_start_2:
0x5f: {  	(tag) =	ssettag $0x2  }
0x60: {  	s0 =	rddreg [dreg:$0x0];
	s2 =	stileid.u32  }
0x61: {  	s1 =	rddreg [dreg:$0x1];
	p0 =	sne.s32 s2, $0x0  }
0x62: {  	s3 =	rddreg [dreg:$0x2];
	[bflag:$0x3] =	sbarrier.arrive $0xFFFF;
	s2 =	simm.s32 @!p0 $0x1C01  }
0x63: {  	[timem:s3], [sflag:s2] =	dma.local @!p0 [hbm:s0], s1  }
0x64: {  	s0 =	simm.s32 @!p0 $0x1  }
0x65: {  	_ =	swait.ge @!p0 [sflag:s0], s1  }
0x66: {  	s1 =	ssub.s32 @!p0 $0x0, s1;
	[sflag:s0] =	ssyncset.done @!p0 $0x0  }
0x67: {  	[sflag:s0] =	ssyncadd.s32 @!p0 s1  }
0x68: {  	[bflag:$0x3] =	sbarrier.arrive $0xFFFF  }
0x69: {  	_ =	shalt  }

// kernel: sparse-core-data-format-call.cloned.1.call-start
scs
called_computation_lowered:
.L_overlay_start_0:
0x0: {  	s2 =	sld [smem:$0x3FD9]  }
0x1: {  	s3 =	sld [smem:$0x3FFE];
	_ =	sdelay $0x1  }
0x2: {  	s1 =	srdreg.scid  }
0x3: {  	s0 =	sand.u32 $0x1, s1  }
0x4: {  	s18 =	sshll.u32 s0, $0xA;
	s2 =	sadd.s32 s3, s2  }
0x5: {  	s2 =	sadd.s32 s2, s18  }
0x6: {  	[smem:$0x3FC6] =	sst s2  }
0x7: {  	_ = 	snop  }
0x8: {  	s2 =	sld [smem:$0x3FD0];
	(tm) =	ssettm $0x1  }
0x9: {  	s19 =	sld [smem:$0x3FFB];
	_ =	sdelay $0x3  }
0xa: {  	_ =	strace s19  }
0xb: {  	s3 =	sld [smem:$0x3FFC];
	_ =	sdelay $0x3  }
0xc: {  	_ =	strace s3  }
0xd: {  	s3 =	sld [smem:$0x3FFD];
	_ =	sdelay $0x3  }
0xe: {  	_ =	strace s3  }
0xf: {  	_ =	strace $0x8FFFFFFF  }
0x10: {  	s20 =	sld [smem:$0x3FDB];
	_ =	sdelay $0x1  }
0x11: {  	s4 =	simm.s32 $_scs_section_size  }
0x12: {  	s5 =	simm.s32 $_size__tile_overlayer_lowered;
	s6 =	simm.s32 $_tile_overlayer_lowered  }
0x13: {  	s23 =	simm.s32 $0x1BFF;
	s22 =	sshll.u32 s6, $0x1;
	s3 =	sadd.s32 s4, s20  }
0x14: {  	s7 =	simm.s32 $0x0;
	s21 =	sshll.u32 s5, $0x1;
	s5 =	sadd.s32 s22, s3  }
0x15: {  	[timem:s7], [sflag:s23] =	dma.local [hbm:s5], s21  }
0x16: {  	_ =	swait.ge [sflag:s23], s21  }
0x17: {  	s4 =	ssub.s32 $0x0, s21;
	[sflag:s23] =	ssyncset.done $0x0  }
0x18: {  	[sflag:s23] =	ssyncadd.s32 s4;
	_ =	sdelay $0x1  }
0x19: {  	s24 =	simm.s32 $0x1B8B  }
0x1a: {  	_ =	swait.ge [sflag:s24], $0x1  }
0x1b: {  	[sflag:s24] =	ssyncset.done $0x0  }
0x1c: {  	s26 =	simm.s32 $0x1B8E;
	s25 =	sld [smem:$0x3FFE];
	[sflag:s24] =	ssyncadd.s32 $0xFFFFFFFF  }
0x1d: {  	s27 =	simm.s32 $execute0_lowered;
	[smem:$0x3FD2] =	sst s26  }
0x1e: {  	s5 =	sshll.u32 s27, $0x1;
	_ =	strace $0x8000004C;
	[dreg:$0x1] =	wrdreg $0xFFFFFFFF  }
0x1f: {  	s28 =	simm.s32 $_size_execute0_lowered;
	s3 =	sadd.s32 s3, s5;
	[dreg:$0x0] =	wrdreg $0x0  }
0x20: {  	s5 =	sshll.u32 s28, $0x1;
	[dreg:$0x2] =	wrdreg s3  }
0x21: {  	[dreg:$0x3] =	wrdreg s5  }
0x22: {  	[dreg:$0x4] =	wrdreg $0xC0  }
0x23: {  	_ =	task [dreg:s7], $0x5FFFF  }
0x24: {  	[dreg:$0x1] =	wrdreg $0xFFFFFFFF  }
0x25: {  	[dreg:$0x0] =	wrdreg $0x60  }
0x26: {  	[dreg:$0x2] =	wrdreg s25  }
0x27: {  	[dreg:$0x3] =	wrdreg s2  }
0x28: {  	[dreg:$0x4] =	wrdreg $0x9  }
0x29: {  	_ =	task.clear_ibuf [dreg:s7], $0x5FFFF;
	_ =	strace $0x9000004C  }
0x2a: {  	s29 =	simm.s32 $0x9;
	_ =	strace $0x8000004E  }
0x2b: {  	_ =	swait.ge [sflag:s29], $0x1  }
0x2c: {  	[sflag:s29] =	ssyncadd.s32 $0xFFFFFFFF  }
0x2d: {  	_ =	strace $0x9000004E  }
0x2e: {  	_ =	sfence  }
0x2f: {  	s30 =	sld [smem:$0x0];
	_ =	sdelay $0x2  }
0x30: {  	s31 =	sshll.u32 s1, $0xD;
	s1 =	sshrl.u32 s1, $0x2  }
0x31: {  	s3 =	sand.u32 $0x4000, s31;
	s1 =	sadd.s32 s1, s30  }
0x32: {  	s0 =	sor.u32 s3, s0;
	s1 =	sshll.u32 s1, $0x11  }
0x33: {  	s0 =	sor.u32 s1, s0  }
0x34: {  	s0 =	sadd.s32 $0x8F2B, s0  }
0x35: {  	[sflag:s0] =	ssyncadd.remote.s32 $0x1  }
0x36: {  	_ =	sfence.sel $0xFFFF  }
0x37: {  	[dreg:$0x0] =	wrdreg $0xFFFFFFFF;
	(pc) =	sbr.abs _section_cstart, $3  }
0x38: {  	[dreg:$0x1] =	wrdreg $0xFFFFFFFF  }
0x39: {  	_ =	task.clear_ibuf [dreg:s7], $0x2FFFF;
	_ =	strace $0x9FFFFFFF  }
0x3a: {  	(tm) =	ssettm $0x7FFFFFFF  }
0x3b: {  	_ =	shalt  }
tec
execute0_lowered:
.L_overlay_start_1:
0x0: {  	(tag) =	ssettag $0x1  }
0x1: {  	s0 =	srdreg.scid  }
0x2: {  	s1 =	sshll.u32 s0, $0x4  }
0x3: {  	s0 =	stileid.u32;
	s1 =	sand.u32 $0x10, s1  }
0x4: {  	s1 =	sor.u32 s0, s1  }
0x5: {  	s6 =	rddreg [dreg:$0x0];
	s4 =	simm.s32 $0x1;
	s2 =	sshll.u32 s1, $0x7  }
0x6: {  	s7 =	simm.s32 $0x2;
	s12 =	simm.s32 $0x0;
	s1 =	ssub.s32 $0x1000, s2  }
0x7: {  	s8 =	simm.s32 $0x8000;
	s13 =	simm.s32 $0x0;
	s3 =	sand.u32 $0xF80, s1  }
0x8: {  	s9 =	simm.s32 $0x0;
	s5 =	sshrl.u32 s1, $0xC;
	p0 =	sne.s32 s3, $0x0  }
.Ltmp0:
0x9: {  	s1 =	rddreg [dreg:$0x2];
	s4 =	simm.s32 @!p0 $0x0;
	(pc) =	sbr.rel .LBB1_1-.Ltmp0, $4  }
0xa: {  	s11 =	simm.s32 $0x0;
	s3 =	rddreg [dreg:$0x1];
	s5 =	sadd.s32 s4, s5  }
0xb: {  	_ =	strace $0x8000004D;
	s4 =	simm.s32 $0x1;
	s5 =	smul.u32 $0xC8, s5  }
0xc: {  	s6 =	sadd.s32 $0xE00, s6;
	s10 =	smov.u32 s2;
	[sflag:s4] =	ssyncpa.u1 $0x0  }
0xd: {  	p0 =	por $0x0, $0x0;
	[sflag:s7] =	ssyncpa.u1 $0x0;
	s7 =	sor.u32 $0x1, s5  }
.LBB1_4:
0xe: {  	s16 =	sshll.u32 s13, $0x3;
	s17 =	sand.u32 $0x78, s13  }
0xf: {  	s30 =	sand.u32 $0x7E00, s13;
	s12 =	sshll.u32 s12, $0xF;
	s16 =	sand.u32 $0xC00, s16  }
0x10: {  	[tilespmem:s15+$0x810 ss:$0x81] =	vst.msk $0xffff, v2;
	s31 =	sand.u32 $0x7, s13;
	s16 =	sor.u32 s17, s16;
	s17 =	sadd.s32 s3, s30  }
0x11: {  	[tilespmem:s15+$0x1020 ss:$0x81] =	vst.msk $0xffff, v0;
	s13 =	sshll.u32 s31, $0x12;
	s12 =	sadd.s32 s12, s17;
	s16 =	sshrl.u32 s16, $0x3  }
0x12: {  	[tilespmem:s15+$0x0 ss:$0x81] =	vst.msk $0xffff, v1;
	s13 =	sor.u32 $0x400, s13;
	s12 =	sadd.s32 s16, s12  }
0x13: {  	[hbm4b:s12+s13] =	stream.strided.scatter [tilespmem:s14], [sflag:$0x2], $0x2000, s8, s13, $0x20;
	[tilespmem:$0x8080] =	vst v63  }
.LBB1_5:
0x14: {  	s14 =	sadd.s32 $0x1, s9  }
0x15: {  	s12 =	sadd.s32 $0x1000, s10;
	s16 =	smov.u32 s10;
	p2 =	sgt.s32 s14, $0xC7  }
0x16: {  	s16 =	smov.u32 @p2 s12  }
0x17: {  	s14 =	simm.s32 @p2 $0x0;
	p2 =	sgt.s32 s16, $0xFFF  }
0x18: {  	s16 =	smov.u32 @p2 s2;
	p2 =	sne.s32 s11, s7  }
.Ltmp1:
0x19: {  	p1 =	slt.u32 s11, $0x2;
	(pc) =	sbr.rel @!p2 .LBB1_6-.Ltmp1, $4  }
0x1a: {  	s15 =	simm.s32 @!p1 $0x2  }
0x1b: {  	s13 =	smov.u32 s10;
	p0 =	por !p0, !p0;
	_ =	swait.ge @!p1 [sflag:s15], $0x2000  }
0x1c: {  	s12 =	smov.u32 s9;
	[sflag:s15] =	ssyncset.done @!p1 $0x0;
	s9 =	smov.u32 s14  }
0x1d: {  	s11 =	sadd.s32 $0x1, s11;
	[sflag:s15] =	ssyncadd.s32 @!p1 $0xFFFFE000;
	s10 =	smov.u32 s16  }
.LBB1_1:
0x1e: {  	p1 =	sge.u32 s11, s5  }
0x1f: {  	s14 =	sand.u32 @!p1 $0x1FFFFFF, s9  }
0x20: {  	s15 =	smulhi.u32 @!p1 $0x147AE15, s14;
	_ =	sdelay $0x1  }
0x21: {  	s15 =	smul.u32 @!p1 $0xC8, s15  }
0x22: {  	s16 =	sxor.u32 @!p1 $0xFFFFFFFF, s11;
	s17 =	smul.u32 @!p1 $0xC80, s10  }
0x23: {  	s31 =	sadd.s32 $0xFFFFFFFF, s11;
	s16 =	sshll.u32 @!p1 s16, $0xD;
	s14 =	ssub.s32 @!p1 s14, s15  }
0x24: {  	s15 =	sand.u32 @!p1 $0x2000, s16;
	s16 =	sadd.s32 @!p1 s6, s17;
	s14 =	sshll.u32 @!p1 s14, $0x4  }
0x25: {  	s17 =	simm.s32 @!p1 $0x6400;
	s14 =	sadd.s32 @!p1 s14, s16;
	s16 =	simm.s32 @!p1 $0x40  }
0x26: {  	[tilespmem:s15], [sflag:$0x1] =	stream.strided.gather @!p1 [hbm4b:s14+s16], $0x2000, s17, s16, $0x38;
	[tilespmem:$0x8080] =	vst v63  }
0x27: {  	p1 =	sge.u32 s31, s5  }
.Ltmp2:
0x28: {  	_ = 	snop;
	(pc) =	sbr.rel @p1 .LBB1_5-.Ltmp2, $1  }
0x29: {  	_ =	sdelay $0x3  }
0x2a: {  	s14 =	simm.s32 $0x1  }
0x2b: {  	_ =	swait.ge [sflag:s4], $0x2000;
	s14 =	simm.s32 @!p0 $0x0  }
0x2c: {  	[sflag:s4] =	ssyncset.done $0x0;
	s15 =	sshll.u32 s14, $0xD  }
0x2d: {  	[sflag:s4] =	ssyncadd.s32 $0xFFFFE000;
	s18 =	sor.u32 $0x20, s15  }
0x2e: {  	s14 =	smul.u32 $0x8100, s14;
	v3 =	vld [tilespmem:s18+$0x10]  }
0x2f: {  	s30 =	sand.u32 $0x1, s11;
	v2 =	vld [tilespmem:s18+$0xFFFFFFF0]  }
0x30: {  	s15 =	smul.u32 $0x8100, s30;
	s14 =	sshrl.u32 s14, $0x2;
	v0 =	vld [tilespmem:s18+$0x0]  }
0x31: {  	v1 =	vld [tilespmem:s18+$0xFFFFFFE0];
	s16 =	sor.u32 $0x4000, s14  }
0x32: {  	s31 =	sshrl.u32 s15, $0x2;
	s15 =	sadd.s32 $0x0, s16  }
0x33: {  	s17 =	simm.s32 $0x4;
	s18 =	sadd.s32 $0x40, s18;
	s14 =	sor.u32 $0x4000, s31;
	[tilespmem:s15+$0x1830 ss:$0x81] =	vst.msk $0xffff, v3  }
.LBB1_3:
0x34: {  	v3 =	vld [tilespmem:s18+$0x10];
	p1 =	sne.s32 s17, $0x1FC;
	[tilespmem:s15+$0x810 ss:$0x81] =	vst.msk $0xffff, v2;
	s19 =	smov.u32 s17;
	s17 =	sadd.s32 $0x4, s17  }
.Ltmp3:
0x35: {  	v2 =	vld [tilespmem:s18+$0xFFFFFFF0];
	[tilespmem:s15+$0x1020 ss:$0x81] =	vst.msk $0xffff, v0;
	(pc) =	sbr.rel @p1 .LBB1_3-.Ltmp3, $4  }
0x36: {  	v0 =	vld [tilespmem:s18+$0x0];
	[tilespmem:s15+$0x0 ss:$0x81] =	vst.msk $0xffff, v1  }
0x37: {  	s15 =	sshra.s32 s19, $0x2;
	v1 =	vld [tilespmem:s18+$0xFFFFFFE0]  }
0x38: {  	s15 =	sadd.s32 s15, s16  }
0x39: {  	s18 =	sadd.s32 $0x40, s18;
	[tilespmem:s15+$0x1830 ss:$0x81] =	vst.msk $0xffff, v3  }
.Ltmp4:
0x3a: {  	_ = 	snop;
	(pc) =	sbr.rel .LBB1_4-.Ltmp4, $1  }
0x3b: {  	_ =	sdelay $0x3  }
.LBB1_6:
0x3c: {  	_ =	sfence.sel $0x180000  }
0x3d: {  	s2 =	simm.s32 $0x1;
	[bflag:$0x0] =	sbarrier.arrive $0xFFFF  }
0x3e: {  	s31 =	simm.s32 $0x2;
	[sflag:s2] =	ssyncpa.u1 $0x1  }
0x3f: {  	[sflag:s31] =	ssyncpa.u1 $0x1  }
0x40: {  	p0 =	sne.s32 s0, $0x0;
	_ =	strace $0x9000004D  }
0x41: {  	s0 =	sadd.s32 @!p0 $0x100000, s1;
	[bflag:$0x2] =	sbarrier.arrive $0xFFFF  }
0x42: {  	[sflag:s0] =	ssyncadd.tile.s32 @!p0 $0x1;
	_ =	shalt  }
.Lfunc_end1:
_tile_overlayer_lowered:
.L_overlay_start_2:
0x43: {  	(tag) =	ssettag $0x2  }
0x44: {  	s0 =	rddreg [dreg:$0x0];
	s2 =	stileid.u32  }
0x45: {  	s1 =	rddreg [dreg:$0x1];
	p0 =	sne.s32 s2, $0x0  }
0x46: {  	s3 =	rddreg [dreg:$0x2];
	[bflag:$0x3] =	sbarrier.arrive $0xFFFF;
	s2 =	simm.s32 @!p0 $0x1C01  }
0x47: {  	[timem:s3], [sflag:s2] =	dma.local @!p0 [hbm:s0], s1  }
0x48: {  	s0 =	simm.s32 @!p0 $0x1  }
0x49: {  	_ =	swait.ge @!p0 [sflag:s0], s1  }
0x4a: {  	s1 =	ssub.s32 @!p0 $0x0, s1;
	[sflag:s0] =	ssyncset.done @!p0 $0x0  }
0x4b: {  	[sflag:s0] =	ssyncadd.s32 @!p0 s1  }
0x4c: {  	[bflag:$0x3] =	sbarrier.arrive $0xFFFF  }
0x4d: {  	_ =	shalt  }

</sc_bundles>
